<compile_context>
chip_gen: v7x
topology: tpu7x:2x2x1
jax: 0.10.2.dev20260603
libtpu: 0.0.44.dev20260713+nightly
codegen_flags: <defaults>
</compile_context>

<pallas_src>
import jax
import jax.numpy as jnp
from jax import lax
from jax.experimental import pallas as pl
from jax.experimental.pallas import tpu as pltpu
from jax.experimental.pallas import tpu_sc as plsc

SEQ_LEN = 8192
OUT_DIM = 1024
BATCH = 4
BLOCK_SEQ = 512

NC = 2
NS = 16
NW = NC * NS
LANES = 16

TOTAL_WORDS = BATCH * SEQ_LEN * OUT_DIM
POS_WORDS = SEQ_LEN * OUT_DIM
WORDS_PER_WORKER = TOTAL_WORDS // NW
CHUNK_WORDS = 16 * 1024
N_CHUNKS = WORDS_PER_WORKER // CHUNK_WORDS
VECS_PER_CHUNK = CHUNK_WORDS // LANES


def _sc_body(in_hbm, pos_hbm, out_hbm,
             in0, in1, pos0, pos1, o0, o1,
             si0, si1, sp0, sp1, so0, so1):
    wid = lax.axis_index("s") * NC + lax.axis_index("c")
    base = wid * WORDS_PER_WORKER
    pos_base = (wid % (POS_WORDS // WORDS_PER_WORKER)) * WORDS_PER_WORKER

    bufs = ((in0, pos0, o0, si0, sp0, so0),
            (in1, pos1, o1, si1, sp1, so1))

    def start_loads(c, bi, bp, s_i, s_p):
        off = c * CHUNK_WORDS
        pltpu.async_copy(in_hbm.at[pl.ds(base + off, CHUNK_WORDS)], bi, s_i)
        pltpu.async_copy(pos_hbm.at[pl.ds(pos_base + off, CHUNK_WORDS)], bp, s_p)

    def process(c, bi, bp, bo, s_i, s_p, s_o):
        off = c * CHUNK_WORDS
        pltpu.make_async_copy(in_hbm.at[pl.ds(base + off, CHUNK_WORDS)], bi, s_i).wait()
        pltpu.make_async_copy(pos_hbm.at[pl.ds(pos_base + off, CHUNK_WORDS)], bp, s_p).wait()

        @pl.when(c >= 2)
        def _():
            pltpu.make_async_copy(bo, out_hbm.at[pl.ds(base + off, CHUNK_WORDS)], s_o).wait()

        @plsc.parallel_loop(0, VECS_PER_CHUNK, 1, unroll=8)
        def _(j):
            s = pl.ds(j * LANES, LANES)
            bo[s] = bi[s] + bp[s]

        pltpu.async_copy(bo, out_hbm.at[pl.ds(base + off, CHUNK_WORDS)], s_o)

        @pl.when(c + 2 < N_CHUNKS)
        def _():
            start_loads(c + 2, bi, bp, s_i, s_p)

    start_loads(0, in0, pos0, si0, sp0)
    start_loads(1, in1, pos1, si1, sp1)

    def chunk_pair(k, _):
        c = k * 2
        bi, bp, bo, s_i, s_p, s_o = bufs[0]
        process(c, bi, bp, bo, s_i, s_p, s_o)
        bi, bp, bo, s_i, s_p, s_o = bufs[1]
        process(c + 1, bi, bp, bo, s_i, s_p, s_o)
        return ()

    lax.fori_loop(0, N_CHUNKS // 2, chunk_pair, ())

    pltpu.make_async_copy(o0, out_hbm.at[pl.ds(base, CHUNK_WORDS)], so0).wait()
    pltpu.make_async_copy(o1, out_hbm.at[pl.ds(base, CHUNK_WORDS)], so1).wait()


def _sc_kernel(inputs_flat, pos_flat):
    mesh = plsc.VectorSubcoreMesh(core_axis_name="c", subcore_axis_name="s")
    buf = lambda: pltpu.VMEM((CHUNK_WORDS,), jnp.float32)
    return pl.kernel(
        _sc_body,
        out_type=jax.ShapeDtypeStruct((TOTAL_WORDS,), jnp.float32),
        mesh=mesh,
        scratch_types=[buf(), buf(), buf(), buf(), buf(), buf()]
        + [pltpu.SemaphoreType.DMA] * 6,
    )(inputs_flat, pos_flat)


def kernel(inputs, pos_table):
    out = _sc_kernel(inputs.reshape(-1), pos_table.reshape(-1))
    return out.reshape(BATCH, SEQ_LEN, OUT_DIM)

# --- scband reference (transcript-rebuilt; emitter-appended) ---
"""Pipeline reference for scband-position-embedding-layer-79456894976575 (READ-ONLY COPY).

The authoritative reference and input builder live on the scoring server;
editing this copy changes nothing except your own understanding.
"""

import jax, jax.numpy as jnp
import numpy as np

SEQ_LEN = 8192
OUT_DIM = 1024
BATCH = 4

def setup_inputs(seed: int = 0) -> dict:
    key = jax.random.key(seed)
    k1, k2 = jax.random.split(key)
    inputs = jax.random.normal(k1, (BATCH, SEQ_LEN, OUT_DIM), dtype=jnp.float32)
    # position embedding table, keras Embedding default init ~ uniform(-0.05, 0.05)
    pos_table = jax.random.uniform(k2, (SEQ_LEN, OUT_DIM), dtype=jnp.float32, minval=-0.05, maxval=0.05)
    return {"inputs": inputs, "pos_table": pos_table}

def reference(inputs, pos_table):
    position_indices = jnp.arange(SEQ_LEN)
    embedded_indices = jnp.take(pos_table, position_indices, axis=0)  # [SEQ_LEN, OUT_DIM]
    return inputs + embedded_indices[None, :, :]

if __name__ == "__main__":
    import jax
    _d = setup_inputs()
    print(jax.jit(kernel)(*tuple(_d.values())))

</pallas_src>

<mosaic_0001>
#map = affine_map<(d0, d1) -> (0)>
module attributes {stable_mosaic.version = 14 : i64} {
  func.func @_sc_body(%arg0: i32, %arg1: i32, %arg2: memref<33554432xf32, #tpu.memory_space<hbm>>, %arg3: memref<8388608xf32, #tpu.memory_space<hbm>>, %arg4: memref<33554432xf32, #tpu.memory_space<hbm>>, %arg5: memref<16384xf32, #tpu.memory_space<vmem>>, %arg6: memref<16384xf32, #tpu.memory_space<vmem>>, %arg7: memref<16384xf32, #tpu.memory_space<vmem>>, %arg8: memref<16384xf32, #tpu.memory_space<vmem>>, %arg9: memref<16384xf32, #tpu.memory_space<vmem>>, %arg10: memref<16384xf32, #tpu.memory_space<vmem>>, %arg11: memref<!tpu.dma_semaphore, #tpu.memory_space<semaphore_mem>>, %arg12: memref<!tpu.dma_semaphore, #tpu.memory_space<semaphore_mem>>, %arg13: memref<!tpu.dma_semaphore, #tpu.memory_space<semaphore_mem>>, %arg14: memref<!tpu.dma_semaphore, #tpu.memory_space<semaphore_mem>>, %arg15: memref<!tpu.dma_semaphore, #tpu.memory_space<semaphore_mem>>, %arg16: memref<!tpu.dma_semaphore, #tpu.memory_space<semaphore_mem>>) attributes {dimension_semantics = [#tpu.dimension_semantics<core_parallel>, #tpu.dimension_semantics<subcore_parallel>], iteration_bounds = array<i64: 2, 16>, scalar_prefetch = 0 : i64, scratch_operands = 12 : i64, tpu.core_type = #tpu.core_type<sc_vector_subcore>, window_params = [{transform_indices = #map}, {transform_indices = #map}, {transform_indices = #map}]} {
    %mul3A = arith.constant 2 : i32
    %mul3A_0 = arith.muli %arg1, %mul3A : i32
    %add3A = arith.addi %mul3A_0, %arg0 : i32
    %mul3A_1 = arith.constant 1048576 : i32
    %mul3A_2 = arith.muli %add3A, %mul3A_1 : i32
    %jit3A = arith.constant 8 : i32
    %eq3A = arith.constant 0 : i32
    %eq3A_3 = arith.cmpi eq, %jit3A, %eq3A : i32
    %jit3A_4 = arith.constant 1 : i32
    %select_n3A = arith.select %eq3A_3, %jit3A_4, %jit3A : i32
    %rem3A = arith.remsi %add3A, %select_n3A : i32
    %ne3A = arith.constant 0 : i32
    %ne3A_5 = arith.cmpi ne, %rem3A, %ne3A : i32
    %lt3A = arith.constant 0 : i32
    %lt3A_6 = arith.cmpi slt, %rem3A, %lt3A : i32
    %lt3A_7 = arith.constant 0 : i32
    %lt3A_8 = arith.cmpi slt, %select_n3A, %lt3A_7 : i32
    %ne3A_9 = arith.xori %lt3A_6, %lt3A_8 : i1
    %and3A = arith.andi %ne3A_9, %ne3A_5 : i1
    %add3A_10 = arith.addi %rem3A, %select_n3A : i32
    %select_n3A_11 = arith.select %and3A, %add3A_10, %rem3A : i32
    %mul3A_12 = arith.constant 1048576 : i32
    %mul3A_13 = arith.muli %select_n3A_11, %mul3A_12 : i32
    %add3A_14 = arith.constant 0 : i32
    %add3A_15 = arith.addi %mul3A_2, %add3A_14 : i32
    %dma_start3A = tpu.memref_slice %arg2[%add3A_15] : memref<33554432xf32, #tpu.memory_space<hbm>> -> memref<16384xf32, #tpu.memory_space<hbm>>
    %dma_start3A_16 = tpu.memref_slice %arg2[%add3A_15] : memref<33554432xf32, #tpu.memory_space<hbm>> -> memref<16384xf32, #tpu.memory_space<hbm>>
    tpu.enqueue_dma source(%dma_start3A_16 : memref<16384xf32, #tpu.memory_space<hbm>>) target(%arg5 : memref<16384xf32, #tpu.memory_space<vmem>>) target_semaphore(%arg11 : memref<!tpu.dma_semaphore, #tpu.memory_space<semaphore_mem>>)
    %add3A_17 = arith.constant 0 : i32
    %add3A_18 = arith.addi %mul3A_13, %add3A_17 : i32
    %dma_start3A_19 = tpu.memref_slice %arg3[%add3A_18] : memref<8388608xf32, #tpu.memory_space<hbm>> -> memref<16384xf32, #tpu.memory_space<hbm>>
    %dma_start3A_20 = tpu.memref_slice %arg3[%add3A_18] : memref<8388608xf32, #tpu.memory_space<hbm>> -> memref<16384xf32, #tpu.memory_space<hbm>>
    tpu.enqueue_dma source(%dma_start3A_20 : memref<16384xf32, #tpu.memory_space<hbm>>) target(%arg7 : memref<16384xf32, #tpu.memory_space<vmem>>) target_semaphore(%arg13 : memref<!tpu.dma_semaphore, #tpu.memory_space<semaphore_mem>>)
    %add3A_21 = arith.constant 16384 : i32
    %add3A_22 = arith.addi %mul3A_2, %add3A_21 : i32
    %dma_start3A_23 = tpu.memref_slice %arg2[%add3A_22] : memref<33554432xf32, #tpu.memory_space<hbm>> -> memref<16384xf32, #tpu.memory_space<hbm>>
    %dma_start3A_24 = tpu.memref_slice %arg2[%add3A_22] : memref<33554432xf32, #tpu.memory_space<hbm>> -> memref<16384xf32, #tpu.memory_space<hbm>>
    tpu.enqueue_dma source(%dma_start3A_24 : memref<16384xf32, #tpu.memory_space<hbm>>) target(%arg6 : memref<16384xf32, #tpu.memory_space<vmem>>) target_semaphore(%arg12 : memref<!tpu.dma_semaphore, #tpu.memory_space<semaphore_mem>>)
    %add3A_25 = arith.constant 16384 : i32
    %add3A_26 = arith.addi %mul3A_13, %add3A_25 : i32
    %dma_start3A_27 = tpu.memref_slice %arg3[%add3A_26] : memref<8388608xf32, #tpu.memory_space<hbm>> -> memref<16384xf32, #tpu.memory_space<hbm>>
    %dma_start3A_28 = tpu.memref_slice %arg3[%add3A_26] : memref<8388608xf32, #tpu.memory_space<hbm>> -> memref<16384xf32, #tpu.memory_space<hbm>>
    tpu.enqueue_dma source(%dma_start3A_28 : memref<16384xf32, #tpu.memory_space<hbm>>) target(%arg8 : memref<16384xf32, #tpu.memory_space<vmem>>) target_semaphore(%arg14 : memref<!tpu.dma_semaphore, #tpu.memory_space<semaphore_mem>>)
    %scan3A = arith.constant 0 : i32
    %scan3A_29 = arith.constant 32 : i32
    %scan3A_30 = arith.addi %scan3A, %scan3A_29 : i32
    %scan3A_31 = arith.constant 1 : i32
    scf.for %scan3A_36 = %scan3A to %scan3A_30 step %scan3A_31  : i32 {
      %mul3A_37 = arith.constant 2 : i32
      %mul3A_38 = arith.muli %scan3A_36, %mul3A_37 : i32
      %mul3A_39 = arith.constant 16384 : i32
      %mul3A_40 = arith.muli %mul3A_38, %mul3A_39 : i32
      %add3A_41 = arith.addi %mul3A_2, %mul3A_40 : i32
      %dma_wait3A_42 = tpu.memref_slice %arg2[%add3A_41] : memref<33554432xf32, #tpu.memory_space<hbm>> -> memref<16384xf32, #tpu.memory_space<hbm>>
      %dma_wait3A_43 = tpu.memref_slice %arg2[%add3A_41] : memref<33554432xf32, #tpu.memory_space<hbm>> -> memref<16384xf32, #tpu.memory_space<hbm>>
      tpu.wait_dma2 semaphore(%arg11 : memref<!tpu.dma_semaphore, #tpu.memory_space<semaphore_mem>>) src(%dma_wait3A_43 : memref<16384xf32, #tpu.memory_space<hbm>>) dst(%arg5 : memref<16384xf32, #tpu.memory_space<vmem>>)
      %add3A_44 = arith.addi %mul3A_13, %mul3A_40 : i32
      %dma_wait3A_45 = tpu.memref_slice %arg3[%add3A_44] : memref<8388608xf32, #tpu.memory_space<hbm>> -> memref<16384xf32, #tpu.memory_space<hbm>>
      %dma_wait3A_46 = tpu.memref_slice %arg3[%add3A_44] : memref<8388608xf32, #tpu.memory_space<hbm>> -> memref<16384xf32, #tpu.memory_space<hbm>>
      tpu.wait_dma2 semaphore(%arg13 : memref<!tpu.dma_semaphore, #tpu.memory_space<semaphore_mem>>) src(%dma_wait3A_46 : memref<16384xf32, #tpu.memory_space<hbm>>) dst(%arg7 : memref<16384xf32, #tpu.memory_space<vmem>>)
      %ge3A = arith.constant 2 : i32
      %ge3A_47 = arith.cmpi sge, %mul3A_38, %ge3A : i32
      %convert_element_type3A = arith.extui %ge3A_47 : i1 to i32
      %cond3A = arith.constant 0 : i32
      %cond3A_48 = arith.cmpi ne, %convert_element_type3A, %cond3A : i32
      scf.if %cond3A_48 {
        %add3A_89 = arith.addi %mul3A_2, %mul3A_40 : i32
        %dma_wait3A_90 = tpu.memref_slice %arg4[%add3A_89] : memref<33554432xf32, #tpu.memory_space<hbm>> -> memref<16384xf32, #tpu.memory_space<hbm>>
        %dma_wait3A_91 = tpu.memref_slice %arg4[%add3A_89] : memref<33554432xf32, #tpu.memory_space<hbm>> -> memref<16384xf32, #tpu.memory_space<hbm>>
        tpu.wait_dma2 semaphore(%arg15 : memref<!tpu.dma_semaphore, #tpu.memory_space<semaphore_mem>>) src(%arg9 : memref<16384xf32, #tpu.memory_space<vmem>>) dst(%dma_wait3A_91 : memref<16384xf32, #tpu.memory_space<hbm>>)
      } else {
      }
      %parallel_loop3A = arith.constant 0 : i32
      %parallel_loop3A_49 = arith.constant 1024 : i32
      %parallel_loop3A_50 = arith.constant 1 : i32
      scf.for %parallel_loop3A_89 = %parallel_loop3A to %parallel_loop3A_49 step %parallel_loop3A_50  : i32 {
        %parallel_loop3A_90 = arith.constant 16 : i32
        %parallel_loop3A_91 = arith.muli %parallel_loop3A_89, %parallel_loop3A_90 : i32
        %parallel_loop3A_92 = arith.index_cast %parallel_loop3A_91 : i32 to index
        %parallel_loop3A_93 = tpu.vector_load %arg5[%parallel_loop3A_92] {strides = array<i32>} : memref<16384xf32, #tpu.memory_space<vmem>>, vector<16xf32>,
        %parallel_loop3A_94 = vector.shape_cast %parallel_loop3A_93 : vector<16xf32> to vector<16xf32>
        %parallel_loop3A_95 = arith.index_cast %parallel_loop3A_91 : i32 to index
        %parallel_loop3A_96 = tpu.vector_load %arg7[%parallel_loop3A_95] {strides = array<i32>} : memref<16384xf32, #tpu.memory_space<vmem>>, vector<16xf32>,
        %parallel_loop3A_97 = vector.shape_cast %parallel_loop3A_96 : vector<16xf32> to vector<16xf32>
        %parallel_loop3A_98 = arith.addf %parallel_loop3A_94, %parallel_loop3A_97 : vector<16xf32>
        %parallel_loop3A_99 = arith.index_cast %parallel_loop3A_91 : i32 to index
        %parallel_loop3A_100 = tpu.vector_load %arg9[%parallel_loop3A_99] {strides = array<i32>} : memref<16384xf32, #tpu.memory_space<vmem>>, vector<16xf32>,
        %parallel_loop3A_101 = vector.shape_cast %parallel_loop3A_100 : vector<16xf32> to vector<16xf32>
        %parallel_loop3A_102 = vector.shape_cast %parallel_loop3A_98 : vector<16xf32> to vector<16xf32>
        tpu.vector_store %arg9[%parallel_loop3A_99], %parallel_loop3A_102 {strides = array<i32>} : memref<16384xf32, #tpu.memory_space<vmem>>, vector<16xf32>,
      } {sc.loop_unroll_factor = 8 : i64, sc.parallel_access}
      %add3A_51 = arith.addi %mul3A_2, %mul3A_40 : i32
      %dma_start3A_52 = tpu.memref_slice %arg4[%add3A_51] : memref<33554432xf32, #tpu.memory_space<hbm>> -> memref<16384xf32, #tpu.memory_space<hbm>>
      %dma_start3A_53 = tpu.memref_slice %arg4[%add3A_51] : memref<33554432xf32, #tpu.memory_space<hbm>> -> memref<16384xf32, #tpu.memory_space<hbm>>
      tpu.enqueue_dma source(%arg9 : memref<16384xf32, #tpu.memory_space<vmem>>) target(%dma_start3A_53 : memref<16384xf32, #tpu.memory_space<hbm>>) target_semaphore(%arg15 : memref<!tpu.dma_semaphore, #tpu.memory_space<semaphore_mem>>)
      %add3A_54 = arith.constant 2 : i32
      %add3A_55 = arith.addi %mul3A_38, %add3A_54 : i32
      %lt3A_56 = arith.constant 64 : i32
      %lt3A_57 = arith.cmpi slt, %add3A_55, %lt3A_56 : i32
      %convert_element_type3A_58 = arith.extui %lt3A_57 : i1 to i32
      %cond3A_59 = arith.constant 0 : i32
      %cond3A_60 = arith.cmpi ne, %convert_element_type3A_58, %cond3A_59 : i32
      scf.if %cond3A_60 {
        %add3A_89 = arith.constant 2 : i32
        %add3A_90 = arith.addi %mul3A_38, %add3A_89 : i32
        %mul3A_91 = arith.constant 16384 : i32
        %mul3A_92 = arith.muli %add3A_90, %mul3A_91 : i32
        %add3A_93 = arith.addi %mul3A_2, %mul3A_92 : i32
        %dma_start3A_94 = tpu.memref_slice %arg2[%add3A_93] : memref<33554432xf32, #tpu.memory_space<hbm>> -> memref<16384xf32, #tpu.memory_space<hbm>>
        %dma_start3A_95 = tpu.memref_slice %arg2[%add3A_93] : memref<33554432xf32, #tpu.memory_space<hbm>> -> memref<16384xf32, #tpu.memory_space<hbm>>
        tpu.enqueue_dma source(%dma_start3A_95 : memref<16384xf32, #tpu.memory_space<hbm>>) target(%arg5 : memref<16384xf32, #tpu.memory_space<vmem>>) target_semaphore(%arg11 : memref<!tpu.dma_semaphore, #tpu.memory_space<semaphore_mem>>)
        %add3A_96 = arith.addi %mul3A_13, %mul3A_92 : i32
        %dma_start3A_97 = tpu.memref_slice %arg3[%add3A_96] : memref<8388608xf32, #tpu.memory_space<hbm>> -> memref<16384xf32, #tpu.memory_space<hbm>>
        %dma_start3A_98 = tpu.memref_slice %arg3[%add3A_96] : memref<8388608xf32, #tpu.memory_space<hbm>> -> memref<16384xf32, #tpu.memory_space<hbm>>
        tpu.enqueue_dma source(%dma_start3A_98 : memref<16384xf32, #tpu.memory_space<hbm>>) target(%arg7 : memref<16384xf32, #tpu.memory_space<vmem>>) target_semaphore(%arg13 : memref<!tpu.dma_semaphore, #tpu.memory_space<semaphore_mem>>)
      } else {
      }
      %add3A_61 = arith.constant 1 : i32
      %add3A_62 = arith.addi %mul3A_38, %add3A_61 : i32
      %mul3A_63 = arith.constant 16384 : i32
      %mul3A_64 = arith.muli %add3A_62, %mul3A_63 : i32
      %add3A_65 = arith.addi %mul3A_2, %mul3A_64 : i32
      %dma_wait3A_66 = tpu.memref_slice %arg2[%add3A_65] : memref<33554432xf32, #tpu.memory_space<hbm>> -> memref<16384xf32, #tpu.memory_space<hbm>>
      %dma_wait3A_67 = tpu.memref_slice %arg2[%add3A_65] : memref<33554432xf32, #tpu.memory_space<hbm>> -> memref<16384xf32, #tpu.memory_space<hbm>>
      tpu.wait_dma2 semaphore(%arg12 : memref<!tpu.dma_semaphore, #tpu.memory_space<semaphore_mem>>) src(%dma_wait3A_67 : memref<16384xf32, #tpu.memory_space<hbm>>) dst(%arg6 : memref<16384xf32, #tpu.memory_space<vmem>>)
      %add3A_68 = arith.addi %mul3A_13, %mul3A_64 : i32
      %dma_wait3A_69 = tpu.memref_slice %arg3[%add3A_68] : memref<8388608xf32, #tpu.memory_space<hbm>> -> memref<16384xf32, #tpu.memory_space<hbm>>
      %dma_wait3A_70 = tpu.memref_slice %arg3[%add3A_68] : memref<8388608xf32, #tpu.memory_space<hbm>> -> memref<16384xf32, #tpu.memory_space<hbm>>
      tpu.wait_dma2 semaphore(%arg14 : memref<!tpu.dma_semaphore, #tpu.memory_space<semaphore_mem>>) src(%dma_wait3A_70 : memref<16384xf32, #tpu.memory_space<hbm>>) dst(%arg8 : memref<16384xf32, #tpu.memory_space<vmem>>)
      %ge3A_71 = arith.constant 2 : i32
      %ge3A_72 = arith.cmpi sge, %add3A_62, %ge3A_71 : i32
      %convert_element_type3A_73 = arith.extui %ge3A_72 : i1 to i32
      %cond3A_74 = arith.constant 0 : i32
      %cond3A_75 = arith.cmpi ne, %convert_element_type3A_73, %cond3A_74 : i32
      scf.if %cond3A_75 {
        %add3A_89 = arith.addi %mul3A_2, %mul3A_64 : i32
        %dma_wait3A_90 = tpu.memref_slice %arg4[%add3A_89] : memref<33554432xf32, #tpu.memory_space<hbm>> -> memref<16384xf32, #tpu.memory_space<hbm>>
        %dma_wait3A_91 = tpu.memref_slice %arg4[%add3A_89] : memref<33554432xf32, #tpu.memory_space<hbm>> -> memref<16384xf32, #tpu.memory_space<hbm>>
        tpu.wait_dma2 semaphore(%arg16 : memref<!tpu.dma_semaphore, #tpu.memory_space<semaphore_mem>>) src(%arg10 : memref<16384xf32, #tpu.memory_space<vmem>>) dst(%dma_wait3A_91 : memref<16384xf32, #tpu.memory_space<hbm>>)
      } else {
      }
      %parallel_loop3A_76 = arith.constant 0 : i32
      %parallel_loop3A_77 = arith.constant 1024 : i32
      %parallel_loop3A_78 = arith.constant 1 : i32
      scf.for %parallel_loop3A_89 = %parallel_loop3A_76 to %parallel_loop3A_77 step %parallel_loop3A_78  : i32 {
        %parallel_loop3A_90 = arith.constant 16 : i32
        %parallel_loop3A_91 = arith.muli %parallel_loop3A_89, %parallel_loop3A_90 : i32
        %parallel_loop3A_92 = arith.index_cast %parallel_loop3A_91 : i32 to index
        %parallel_loop3A_93 = tpu.vector_load %arg6[%parallel_loop3A_92] {strides = array<i32>} : memref<16384xf32, #tpu.memory_space<vmem>>, vector<16xf32>,
        %parallel_loop3A_94 = vector.shape_cast %parallel_loop3A_93 : vector<16xf32> to vector<16xf32>
        %parallel_loop3A_95 = arith.index_cast %parallel_loop3A_91 : i32 to index
        %parallel_loop3A_96 = tpu.vector_load %arg8[%parallel_loop3A_95] {strides = array<i32>} : memref<16384xf32, #tpu.memory_space<vmem>>, vector<16xf32>,
        %parallel_loop3A_97 = vector.shape_cast %parallel_loop3A_96 : vector<16xf32> to vector<16xf32>
        %parallel_loop3A_98 = arith.addf %parallel_loop3A_94, %parallel_loop3A_97 : vector<16xf32>
        %parallel_loop3A_99 = arith.index_cast %parallel_loop3A_91 : i32 to index
        %parallel_loop3A_100 = tpu.vector_load %arg10[%parallel_loop3A_99] {strides = array<i32>} : memref<16384xf32, #tpu.memory_space<vmem>>, vector<16xf32>,
        %parallel_loop3A_101 = vector.shape_cast %parallel_loop3A_100 : vector<16xf32> to vector<16xf32>
        %parallel_loop3A_102 = vector.shape_cast %parallel_loop3A_98 : vector<16xf32> to vector<16xf32>
        tpu.vector_store %arg10[%parallel_loop3A_99], %parallel_loop3A_102 {strides = array<i32>} : memref<16384xf32, #tpu.memory_space<vmem>>, vector<16xf32>,
      } {sc.loop_unroll_factor = 8 : i64, sc.parallel_access}
      %add3A_79 = arith.addi %mul3A_2, %mul3A_64 : i32
      %dma_start3A_80 = tpu.memref_slice %arg4[%add3A_79] : memref<33554432xf32, #tpu.memory_space<hbm>> -> memref<16384xf32, #tpu.memory_space<hbm>>
      %dma_start3A_81 = tpu.memref_slice %arg4[%add3A_79] : memref<33554432xf32, #tpu.memory_space<hbm>> -> memref<16384xf32, #tpu.memory_space<hbm>>
      tpu.enqueue_dma source(%arg10 : memref<16384xf32, #tpu.memory_space<vmem>>) target(%dma_start3A_81 : memref<16384xf32, #tpu.memory_space<hbm>>) target_semaphore(%arg16 : memref<!tpu.dma_semaphore, #tpu.memory_space<semaphore_mem>>)
      %add3A_82 = arith.constant 2 : i32
      %add3A_83 = arith.addi %add3A_62, %add3A_82 : i32
      %lt3A_84 = arith.constant 64 : i32
      %lt3A_85 = arith.cmpi slt, %add3A_83, %lt3A_84 : i32
      %convert_element_type3A_86 = arith.extui %lt3A_85 : i1 to i32
      %cond3A_87 = arith.constant 0 : i32
      %cond3A_88 = arith.cmpi ne, %convert_element_type3A_86, %cond3A_87 : i32
      scf.if %cond3A_88 {
        %add3A_89 = arith.constant 2 : i32
        %add3A_90 = arith.addi %add3A_62, %add3A_89 : i32
        %mul3A_91 = arith.constant 16384 : i32
        %mul3A_92 = arith.muli %add3A_90, %mul3A_91 : i32
        %add3A_93 = arith.addi %mul3A_2, %mul3A_92 : i32
        %dma_start3A_94 = tpu.memref_slice %arg2[%add3A_93] : memref<33554432xf32, #tpu.memory_space<hbm>> -> memref<16384xf32, #tpu.memory_space<hbm>>
        %dma_start3A_95 = tpu.memref_slice %arg2[%add3A_93] : memref<33554432xf32, #tpu.memory_space<hbm>> -> memref<16384xf32, #tpu.memory_space<hbm>>
        tpu.enqueue_dma source(%dma_start3A_95 : memref<16384xf32, #tpu.memory_space<hbm>>) target(%arg6 : memref<16384xf32, #tpu.memory_space<vmem>>) target_semaphore(%arg12 : memref<!tpu.dma_semaphore, #tpu.memory_space<semaphore_mem>>)
        %add3A_96 = arith.addi %mul3A_13, %mul3A_92 : i32
        %dma_start3A_97 = tpu.memref_slice %arg3[%add3A_96] : memref<8388608xf32, #tpu.memory_space<hbm>> -> memref<16384xf32, #tpu.memory_space<hbm>>
        %dma_start3A_98 = tpu.memref_slice %arg3[%add3A_96] : memref<8388608xf32, #tpu.memory_space<hbm>> -> memref<16384xf32, #tpu.memory_space<hbm>>
        tpu.enqueue_dma source(%dma_start3A_98 : memref<16384xf32, #tpu.memory_space<hbm>>) target(%arg8 : memref<16384xf32, #tpu.memory_space<vmem>>) target_semaphore(%arg14 : memref<!tpu.dma_semaphore, #tpu.memory_space<semaphore_mem>>)
      } else {
      }
    }
    %scan3A_32 = arith.constant 32 : i32
    %dma_wait3A = tpu.memref_slice %arg4[%mul3A_2] : memref<33554432xf32, #tpu.memory_space<hbm>> -> memref<16384xf32, #tpu.memory_space<hbm>>
    %dma_wait3A_33 = tpu.memref_slice %arg4[%mul3A_2] : memref<33554432xf32, #tpu.memory_space<hbm>> -> memref<16384xf32, #tpu.memory_space<hbm>>
    tpu.wait_dma2 semaphore(%arg15 : memref<!tpu.dma_semaphore, #tpu.memory_space<semaphore_mem>>) src(%arg9 : memref<16384xf32, #tpu.memory_space<vmem>>) dst(%dma_wait3A_33 : memref<16384xf32, #tpu.memory_space<hbm>>)
    %dma_wait3A_34 = tpu.memref_slice %arg4[%mul3A_2] : memref<33554432xf32, #tpu.memory_space<hbm>> -> memref<16384xf32, #tpu.memory_space<hbm>>
    %dma_wait3A_35 = tpu.memref_slice %arg4[%mul3A_2] : memref<33554432xf32, #tpu.memory_space<hbm>> -> memref<16384xf32, #tpu.memory_space<hbm>>
    tpu.wait_dma2 semaphore(%arg16 : memref<!tpu.dma_semaphore, #tpu.memory_space<semaphore_mem>>) src(%arg10 : memref<16384xf32, #tpu.memory_space<vmem>>) dst(%dma_wait3A_35 : memref<16384xf32, #tpu.memory_space<hbm>>)
    return
  }
}

</mosaic_0001>

<sc_bundles>
// kernel: kernel.3.cloned.1.call-start
scs
__scs_entry_jumppad:
0x0: {  	(pc) =	sbr.rel $0x88, $3  }
0x1: {  	(tag) =	ssettag $0x0;
	lr =	simm.s32 $0x1  }
0x2: {  	[smem:$0x3F9F] =	sst lr;
	_ =	strace $0xD0000000  }
0x3: {  	_ = 	snop  }
0x4: {  	_ = 	snop  }
0x5: {  	_ = 	snop  }
0x6: {  	_ = 	snop  }
0x7: {  	_ = 	snop  }
__scs_overlays_trampoline_lowered:
0x8: {  	[smem:$0x3FAE] =	sst s0  }
0x9: {  	[smem:$0x3FAF] =	sst s1  }
0xa: {  	[smem:$0x3FB0] =	sst s2  }
0xb: {  	[smem:$0x3FB1] =	sst s3  }
0xc: {  	[smem:$0x3FB2] =	sst s4  }
0xd: {  	[smem:$0x3FB3] =	sst s5  }
0xe: {  	[smem:$0x3FB4] =	sst s6  }
0xf: {  	[smem:$0x3FB5] =	sst s7  }
0x10: {  	[smem:$0x3FB6] =	sst s8  }
0x11: {  	[smem:$0x3FB7] =	sst s9;
	s0 =	simm.s32 @!p0 $0x0  }
0x12: {  	s1 =	sld [smem:$0x3F9D];
	s0 =	simm.s32 @p0 $0x1  }
0x13: {  	[smem:$0x3FB8] =	sst s0;
	s0 =	simm.s32 @!p1 $0x0  }
0x14: {  	s2 =	sld [smem:$0x3F9C];
	s0 =	simm.s32 @p1 $0x1  }
0x15: {  	[smem:$0x3FB9] =	sst s0;
	s0 =	simm.s32 @!p2 $0x0  }
0x16: {  	s3 =	sld [smem:$0x3FDB];
	s0 =	simm.s32 @p2 $0x1  }
0x17: {  	s4 =	simm.s32 $0x1BF5;
	[smem:$0x3FBB] =	sst s0  }
0x18: {  	s0 =	sld [smem:$0x3F9E];
	_ =	swait.ge [sflag:s4], $0x0  }
0x19: {  	s7 =	sld [smem:$0x3F9F]  }
0x1a: {  	s8 =	sadd.s32 $0xFFFFE003, lr  }
0x1b: {  	s9 =	sadd.s32 $0xFFFFFEF7, lr;
	s5 =	simm.s32 $0xFFFFFFFF;
	p2 =	slt.u32 s8, $0xFFFFF086  }
0x1c: {  	p1 =	slt.u32 s9, $0xF7A;
	s5 =	simm.s32 @!p2 $0x0  }
0x1d: {  	s5 =	simm.s32 @p1 $0x1;
	p0 =	seq.s32 s7, s2  }
0x1e: {  	s7 =	smul.u32 @!p0 $0xF7A, s2;
	p2 =	seq.s32 @!p0 s5, $0x0  }
0x1f: {  	s9 =	smul.u32 $0xF7A, s1;
	s8 =	simm.s32 @!p0 $0x1BF5;
	p2 =	por !p2, p0  }
0x20: {  	[sflag:s8] =	ssyncset.s32 @!p0 $0xFFFFF086;
	s6 =	sadd.s32 @!p0 s3, s7;
	s7 =	simm.s32 @!p0 $0x108  }
0x21: {  	s3 =	sadd.s32 s3, s9;
	s6 =	sadd.s32 @!p0 $0x88, s6;
	s7 =	simm.s32 @p2 $0x1082  }
0x22: {  	[simem:s7], [sflag:s8] =	dma.local @!p0 [hbm:s6], $0xF7A  }
0x23: {  	s9 =	sor.u32 $0xD0000000, s2;
	s6 =	simm.s32 $0x108;
	_ =	swait.ge @!p0 [sflag:s8], $0x0  }
0x24: {  	s3 =	sadd.s32 $0x88, s3;
	s6 =	simm.s32 @!p1 $0x1082;
	[sflag:s4] =	ssyncset.s32 $0xFFFFF086  }
0x25: {  	[simem:s6], [sflag:s4] =	dma.local [hbm:s3], $0xF7A  }
0x26: {  	[smem:$0x3F9F] =	sst s1;
	(tag) =	ssettag s2;
	_ =	strace s9  }
0x27: {  	s1 =	sld [smem:$0x3FAF]  }
0x28: {  	s2 =	sld [smem:$0x3FB0]  }
0x29: {  	s4 =	sld [smem:$0x3FB2]  }
0x2a: {  	p0 =	seq.s32 s5, $0x0;
	s5 =	sld [smem:$0x3FB3]  }
0x2b: {  	s6 =	sld [smem:$0x3FB4]  }
0x2c: {  	s7 =	sld [smem:$0x3FB5]  }
0x2d: {  	s3 =	simm.s32 $0x108;
	s8 =	sld [smem:$0x3FB6]  }
0x2e: {  	s3 =	simm.s32 @!p0 $0x1082;
	s9 =	sld [smem:$0x3FB7]  }
0x2f: {  	lr =	sadd.s32 s0, s3;
	s0 =	sld [smem:$0x3FAE]  }
0x30: {  	s3 =	sld [smem:$0x3FB1]  }
0x31: {  	[smem:$0x3FBA] =	sst s10  }
0x32: {  	s10 =	sld [smem:$0x3FB8];
	_ =	sdelay $0x3  }
0x33: {  	p0 =	seq.s32 s10, $0x1;
	s10 =	sld [smem:$0x3FBA];
	_ =	sdelay $0x3  }
0x34: {  	[smem:$0x3FBA] =	sst s10  }
0x35: {  	s10 =	sld [smem:$0x3FB9];
	_ =	sdelay $0x3  }
0x36: {  	p1 =	seq.s32 s10, $0x1;
	s10 =	sld [smem:$0x3FBA];
	_ =	sdelay $0x3  }
0x37: {  	[smem:$0x3FBA] =	sst s10  }
0x38: {  	s10 =	sld [smem:$0x3FBB]  }
0x39: {  	_ = 	snop;
	(pc) =	sbr.ind lr, $3  }
0x3a: {  	_ = 	snop  }
0x3b: {  	_ = 	snop  }
0x3c: {  	p2 =	seq.s32 s10, $0x1;
	s10 =	sld [smem:$0x3FBA]  }
0x3d: {  	_ =	shalt  }
0x3e: {  	_ =	shalt  }
0x3f: {  	_ =	shalt  }
0x40: {  	_ =	shalt  }
0x41: {  	_ =	shalt  }
0x42: {  	_ =	shalt  }
0x43: {  	_ =	shalt  }
0x44: {  	_ =	shalt  }
0x45: {  	_ =	shalt  }
0x46: {  	_ =	shalt  }
0x47: {  	_ =	shalt  }
0x48: {  	_ =	shalt  }
0x49: {  	_ =	shalt  }
0x4a: {  	_ =	shalt  }
0x4b: {  	_ =	shalt  }
0x4c: {  	_ =	shalt  }
0x4d: {  	_ =	shalt  }
0x4e: {  	_ =	shalt  }
0x4f: {  	_ =	shalt  }
0x50: {  	_ =	shalt  }
0x51: {  	_ =	shalt  }
0x52: {  	_ =	shalt  }
0x53: {  	_ =	shalt  }
0x54: {  	_ =	shalt  }
0x55: {  	_ =	shalt  }
0x56: {  	_ =	shalt  }
0x57: {  	_ =	shalt  }
0x58: {  	_ =	shalt  }
0x59: {  	_ =	shalt  }
0x5a: {  	_ =	shalt  }
0x5b: {  	_ =	shalt  }
0x5c: {  	_ =	shalt  }
0x5d: {  	_ =	shalt  }
0x5e: {  	_ =	shalt  }
0x5f: {  	_ =	shalt  }
0x60: {  	_ =	shalt  }
0x61: {  	_ =	shalt  }
0x62: {  	_ =	shalt  }
0x63: {  	_ =	shalt  }
0x64: {  	_ =	shalt  }
0x65: {  	_ =	shalt  }
0x66: {  	_ =	shalt  }
0x67: {  	_ =	shalt  }
0x68: {  	_ =	shalt  }
0x69: {  	_ =	shalt  }
0x6a: {  	_ =	shalt  }
0x6b: {  	_ =	shalt  }
0x6c: {  	_ =	shalt  }
0x6d: {  	_ =	shalt  }
0x6e: {  	_ =	shalt  }
0x6f: {  	_ =	shalt  }
0x70: {  	_ =	shalt  }
0x71: {  	_ =	shalt  }
0x72: {  	_ =	shalt  }
0x73: {  	_ =	shalt  }
0x74: {  	_ =	shalt  }
0x75: {  	_ =	shalt  }
0x76: {  	_ =	shalt  }
0x77: {  	_ =	shalt  }
0x78: {  	_ =	shalt  }
0x79: {  	_ =	shalt  }
0x7a: {  	_ =	shalt  }
0x7b: {  	_ =	shalt  }
0x7c: {  	_ =	shalt  }
0x7d: {  	_ =	shalt  }
0x7e: {  	_ =	shalt  }
0x7f: {  	_ =	shalt  }
0x80: {  	_ =	shalt  }
0x81: {  	_ =	shalt  }
0x82: {  	_ =	shalt  }
0x83: {  	_ =	shalt  }
0x84: {  	_ =	shalt  }
0x85: {  	_ =	shalt  }
0x86: {  	_ =	shalt  }
0x87: {  	_ =	shalt  }
.Lfunc_end0:
.L_simem_size_0:
called_computation.2_lowered:
.L_overlay_start_0:
0x88: {  	s2 =	sld [smem:$0x3FD9]  }
0x89: {  	s3 =	sld [smem:$0x3FFE];
	_ =	sdelay $0x1  }
0x8a: {  	s1 =	srdreg.scid  }
0x8b: {  	s0 =	sand.u32 $0x1, s1  }
0x8c: {  	s17 =	sshll.u32 s0, $0xA;
	s2 =	sadd.s32 s3, s2  }
0x8d: {  	s2 =	sadd.s32 s2, s17  }
0x8e: {  	[smem:$0x3FC6] =	sst s2  }
0x8f: {  	_ = 	snop  }
0x90: {  	s2 =	sld [smem:$0x3FD0];
	(tm) =	ssettm $0x1  }
0x91: {  	s18 =	sld [smem:$0x3FFB];
	_ =	sdelay $0x3  }
0x92: {  	_ =	strace s18  }
0x93: {  	s3 =	sld [smem:$0x3FFC];
	_ =	sdelay $0x3  }
0x94: {  	_ =	strace s3  }
0x95: {  	s3 =	sld [smem:$0x3FFD];
	_ =	sdelay $0x3  }
0x96: {  	_ =	strace s3  }
0x97: {  	_ =	strace $0x8FFFFFFF  }
0x98: {  	s19 =	sld [smem:$0x3FDB];
	_ =	sdelay $0x1  }
0x99: {  	s4 =	simm.s32 $_scs_section_size  }
0x9a: {  	s5 =	simm.s32 $_size__tile_overlayer_lowered;
	s6 =	simm.s32 $_tile_overlayer_lowered  }
0x9b: {  	s22 =	simm.s32 $0x1BFF;
	s21 =	sshll.u32 s6, $0x1;
	s3 =	sadd.s32 s4, s19  }
0x9c: {  	s7 =	simm.s32 $0x0;
	s20 =	sshll.u32 s5, $0x1;
	s5 =	sadd.s32 s21, s3  }
0x9d: {  	[timem:s7], [sflag:s22] =	dma.local [hbm:s5], s20  }
0x9e: {  	_ =	swait.ge [sflag:s22], s20  }
0x9f: {  	s4 =	ssub.s32 $0x0, s20;
	[sflag:s22] =	ssyncset.done $0x0  }
0xa0: {  	[sflag:s22] =	ssyncadd.s32 s4;
	_ =	sdelay $0x1  }
0xa1: {  	s23 =	simm.s32 $0x1B8B  }
0xa2: {  	_ =	swait.ge [sflag:s23], $0x1  }
0xa3: {  	[sflag:s23] =	ssyncset.done $0x0  }
0xa4: {  	s25 =	simm.s32 $0x1B8E;
	s24 =	sld [smem:$0x3FFE];
	[sflag:s23] =	ssyncadd.s32 $0xFFFFFFFF  }
0xa5: {  	s26 =	simm.s32 $execute0_lowered;
	[smem:$0x3FD2] =	sst s25  }
0xa6: {  	s5 =	sshll.u32 s26, $0x1;
	_ =	strace $0x8000004C;
	[dreg:$0x1] =	wrdreg $0xFFFFFFFF  }
0xa7: {  	s28 =	simm.s32 $_size_execute0_lowered;
	s3 =	sadd.s32 s3, s5;
	[dreg:$0x0] =	wrdreg $0x0  }
0xa8: {  	s5 =	sshll.u32 s28, $0x1;
	[dreg:$0x2] =	wrdreg s3  }
0xa9: {  	[dreg:$0x3] =	wrdreg s5  }
0xaa: {  	[dreg:$0x4] =	wrdreg $0xC0  }
0xab: {  	_ =	task [dreg:s7], $0x5FFFF  }
0xac: {  	[dreg:$0x1] =	wrdreg $0xFFFFFFFF  }
0xad: {  	[dreg:$0x0] =	wrdreg $0x60  }
0xae: {  	[dreg:$0x2] =	wrdreg s2  }
0xaf: {  	[dreg:$0x3] =	wrdreg s24  }
0xb0: {  	[dreg:$0x4] =	wrdreg $0x9  }
0xb1: {  	_ =	task.clear_ibuf [dreg:s7], $0x5FFFF;
	_ =	strace $0x9000004C  }
0xb2: {  	s29 =	simm.s32 $0x9;
	_ =	strace $0x8000004E  }
0xb3: {  	_ =	swait.ge [sflag:s29], $0x1  }
0xb4: {  	[sflag:s29] =	ssyncadd.s32 $0xFFFFFFFF  }
0xb5: {  	_ =	strace $0x9000004E  }
0xb6: {  	_ =	sfence  }
0xb7: {  	s30 =	sld [smem:$0x0];
	_ =	sdelay $0x2  }
0xb8: {  	s31 =	sshll.u32 s1, $0xD;
	s1 =	sshrl.u32 s1, $0x2  }
0xb9: {  	s3 =	sand.u32 $0x4000, s31;
	s1 =	sadd.s32 s1, s30  }
0xba: {  	s0 =	sor.u32 s3, s0;
	s1 =	sshll.u32 s1, $0x11  }
0xbb: {  	s0 =	sor.u32 s1, s0  }
0xbc: {  	s0 =	sadd.s32 $0x8F2B, s0  }
0xbd: {  	[sflag:s0] =	ssyncadd.remote.s32 $0x1  }
0xbe: {  	_ =	sfence.sel $0xFFFF  }
0xbf: {  	[dreg:$0x0] =	wrdreg $0xFFFFFFFF;
	(pc) =	sbr.abs _section_cstart, $3  }
0xc0: {  	[dreg:$0x1] =	wrdreg $0xFFFFFFFF  }
0xc1: {  	_ =	task.clear_ibuf [dreg:s7], $0x2FFFF;
	_ =	strace $0x9FFFFFFF  }
0xc2: {  	(tm) =	ssettm $0x7FFFFFFF  }
0xc3: {  	_ =	shalt  }
tec
execute0_lowered:
.L_overlay_start_1:
0x0: {  	(tag) =	ssettag $0x1  }
0x1: {  	s2 =	rddreg [dreg:$0x0]  }
0x2: {  	s0 =	rddreg [dreg:$0x1]  }
0x3: {  	s4 =	srdreg.scid;
	s1 =	stileid.u32  }
0x4: {  	s3 =	simm.s32 $0x0;
	s13 =	simm.s32 $0x8000;
	s14 =	simm.s32 $0x4000  }
0x5: {  	s15 =	simm.s32 $0xC000;
	s16 =	simm.s32 $0x1;
	s17 =	simm.s32 $0x3  }
0x6: {  	s18 =	simm.s32 $0x10000;
	s19 =	simm.s32 $0x2;
	s20 =	simm.s32 $0x4  }
0x7: {  	s21 =	simm.s32 $0x14000;
	s22 =	simm.s32 $0x5;
	s23 =	simm.s32 $0x6  }
0x8: {  	s24 =	simm.s32 $0x0;
	s7 =	sand.u32 $0x1, s4;
	s30 =	sshll.u32 s1, $0x1  }
0x9: {  	[smem:$0x7FF] =	sst s3;
	s4 =	sadd.s32 $0xC00, s0;
	s8 =	sor.u32 s7, s30  }
.Ltmp0:
0xa: {  	s6 =	sadd.s32 $0x100C00, s0;
	s5 =	sshll.u32 s8, $0x14;
	(pc) =	sbr.rel .LBB2_1-.Ltmp0, $4  }
0xb: {  	_ =	strace $0x8000004D;
	s31 =	ssub.s32 $0x2, s7;
	s7 =	sand.u32 $0x700000, s5  }
0xc: {  	s9 =	sshrl.u32 s31, $0x1;
	s8 =	sshll.u32 s8, $0x11;
	s10 =	sshrl.u32 s7, $0x3  }
0xd: {  	s0 =	ssub.s32 s31, s9;
	s8 =	sadd.s32 s2, s8;
	s9 =	sadd.s32 s4, s10  }
0xe: {  	s12 =	smax.u32 s0, $0x1;
	s10 =	sadd.s32 $0x800, s8;
	s11 =	sadd.s32 $0x800, s9  }
.LBB2_8:
0xf: {  	s24 =	sadd.s32 $0x1, s24  }
0x10: {  	_ =	swait.ge [sflag:s22], $0x4000;
	p0 =	sne.s32 s24, s12  }
.Ltmp1:
0x11: {  	[sflag:s22] =	ssyncset.done $0x0;
	(pc) =	sbr.rel @!p0 .LBB2_9-.Ltmp1, $4  }
0x12: {  	[sflag:s22] =	ssyncadd.s32 $0xFFFFC000  }
0x13: {  	_ =	swait.ge [sflag:s23], $0x4000  }
0x14: {  	[sflag:s23] =	ssyncset.done $0x0  }
0x15: {  	[sflag:s23] =	ssyncadd.s32 $0xFFFFC000  }
.LBB2_1:
0x16: {  	[tilespmem:s3], [sflag:$0x1] =	stream.linear.gather [hbm4b:s8+s3], $0x4000, $0x38;
	[tilespmem:$0x18000] =	vst v63  }
0x17: {  	_ = 	snop  }
0x18: {  	[tilespmem:s13], [sflag:$0x3] =	stream.linear.gather [hbm4b:s9+s3], $0x4000, $0x38;
	[tilespmem:$0x18000] =	vst v63  }
0x19: {  	_ = 	snop  }
0x1a: {  	[tilespmem:s14], [sflag:$0x2] =	stream.linear.gather [hbm4b:s10+s3], $0x4000, $0x38;
	[tilespmem:$0x18000] =	vst v63  }
0x1b: {  	s25 =	simm.s32 $0x0  }
0x1c: {  	[tilespmem:s15], [sflag:$0x4] =	stream.linear.gather [hbm4b:s11+s3], $0x4000, $0x38;
	[tilespmem:$0x18000] =	vst v63  }
.LBB2_2:
0x1d: {  	_ =	swait.ge [sflag:s16], $0x4000  }
0x1e: {  	[sflag:s16] =	ssyncset.done $0x0  }
0x1f: {  	[sflag:s16] =	ssyncadd.s32 $0xFFFFC000  }
0x20: {  	_ =	swait.ge [sflag:s17], $0x4000  }
0x21: {  	p0 =	seq.s32 s25, $0x0;
	[sflag:s17] =	ssyncset.done $0x0  }
0x22: {  	s0 =	simm.s32 @!p0 $0x5;
	[sflag:s17] =	ssyncadd.s32 $0xFFFFC000  }
0x23: {  	_ =	swait.ge @!p0 [sflag:s0], $0x4000  }
0x24: {  	[sflag:s0] =	ssyncset.done @!p0 $0x0  }
0x25: {  	[sflag:s0] =	ssyncadd.s32 @!p0 $0xFFFFC000;
	s0 =	simm.s32 $0x40  }
0x26: {  	s28 =	simm.s32 $0x8040;
	v1 =	vld [tilespmem:s0+$0x30]  }
0x27: {  	v2 =	vld [tilespmem:s28+$0x30]  }
0x28: {  	v0 =	vld [tilespmem:s28+$0xFFFFFFC0]  }
0x29: {  	v3 =	vld [tilespmem:s0+$0xFFFFFFD0]  }
0x2a: {  	v4 =	vld [tilespmem:s28+$0xFFFFFFD0]  }
0x2b: {  	v5 =	vld [tilespmem:s0+$0xFFFFFFE0]  }
0x2c: {  	v6 =	vld [tilespmem:s28+$0xFFFFFFE0]  }
0x2d: {  	v7 =	vld [tilespmem:s0+$0xFFFFFFF0]  }
0x2e: {  	v8 =	vld [tilespmem:s28+$0xFFFFFFF0]  }
0x2f: {  	v9 =	vld [tilespmem:s0+$0x0]  }
0x30: {  	v10 =	vld [tilespmem:s28+$0x0];
	v2 =	vadd.f32 v2, v1  }
0x31: {  	s29 =	simm.s32 $0x10040;
	v4 =	vadd.f32 v4, v3;
	v1 =	vld [tilespmem:s0+$0x10]  }
0x32: {  	v5 =	vadd.f32 v6, v5;
	v3 =	vld [tilespmem:s28+$0x10];
	[tilespmem:s29+$0x30] =	vst v2  }
0x33: {  	v6 =	vadd.f32 v8, v7;
	[tilespmem:s29+$0xFFFFFFD0] =	vst v4;
	v2 =	vld [tilespmem:s0+$0x20]  }
0x34: {  	s26 =	sshll.u32 s25, $0xF;
	[tilespmem:s29+$0xFFFFFFE0] =	vst v5;
	v4 =	vld [tilespmem:s28+$0x20]  }
0x35: {  	s31 =	simm.s32 $0x0;
	s30 =	sor.u32 s5, s26;
	v5 =	vld [tilespmem:s0+$0xFFFFFFC0];
	[tilespmem:s29+$0xFFFFFFF0] =	vst v6;
	v6 =	vadd.f32 v10, v9;
	s0 =	simm.s32 $0xC0  }
.LBB2_3:
0x36: {  	v7 =	vld [tilespmem:s0+$0x30];
	s28 =	sadd.s32 $0x80, s28  }
0x37: {  	s31 =	sadd.s32 $0x8, s31;
	v8 =	vld [tilespmem:s28+$0x30];
	[tilespmem:s29+$0x0] =	vst v6;
	v1 =	vadd.f32 v3, v1  }
0x38: {  	p1 =	slt.u32 s31, $0x3F8;
	v3 =	vld [tilespmem:s28+$0xFFFFFFC0]  }
0x39: {  	v6 =	vld [tilespmem:s0+$0xFFFFFFD0];
	[tilespmem:s29+$0x10] =	vst v1;
	v1 =	vadd.f32 v4, v2  }
0x3a: {  	v2 =	vld [tilespmem:s28+$0xFFFFFFD0];
	v9 =	vadd.f32 v0, v5  }
0x3b: {  	v4 =	vld [tilespmem:s0+$0xFFFFFFE0];
	[tilespmem:s29+$0x20] =	vst v1  }
0x3c: {  	v1 =	vld [tilespmem:s28+$0xFFFFFFE0];
	v5 =	vadd.f32 v8, v7;
	[tilespmem:s29+$0xFFFFFFC0] =	vst v9  }
0x3d: {  	s29 =	sadd.s32 $0x80, s29;
	v7 =	vld [tilespmem:s0+$0xFFFFFFF0];
	v0 =	vmov v3  }
0x3e: {  	v8 =	vld [tilespmem:s28+$0xFFFFFFF0];
	[tilespmem:s29+$0x30] =	vst v5  }
0x3f: {  	v2 =	vadd.f32 v2, v6;
	v6 =	vld [tilespmem:s0+$0x0]  }
0x40: {  	v9 =	vld [tilespmem:s28+$0x0]  }
.Ltmp2:
0x41: {  	[tilespmem:s29+$0xFFFFFFD0] =	vst v2;
	v2 =	vadd.f32 v1, v4;
	v1 =	vld [tilespmem:s0+$0x10];
	(pc) =	sbr.rel @p1 .LBB2_3-.Ltmp2, $4  }
0x42: {  	v3 =	vld [tilespmem:s28+$0x10]  }
0x43: {  	[tilespmem:s29+$0xFFFFFFE0] =	vst v2;
	v7 =	vadd.f32 v8, v7;
	v2 =	vld [tilespmem:s0+$0x20]  }
0x44: {  	v4 =	vld [tilespmem:s28+$0x20]  }
0x45: {  	v5 =	vld [tilespmem:s0+$0xFFFFFFC0];
	[tilespmem:s29+$0xFFFFFFF0] =	vst v7;
	v6 =	vadd.f32 v9, v6;
	s0 =	sadd.s32 $0x80, s0  }
0x46: {  	_ =	sdelay $0x1  }
0x47: {  	v1 =	vadd.f32 v3, v1  }
0x48: {  	[tilespmem:s29+$0x0] =	vst v6;
	v2 =	vadd.f32 v4, v2  }
0x49: {  	[tilespmem:s29+$0x10] =	vst v1;
	v0 =	vadd.f32 v0, v5  }
0x4a: {  	s28 =	sshrl.u32 s30, $0x3;
	[tilespmem:s29+$0x20] =	vst v2  }
0x4b: {  	p1 =	seq.s32 s25, $0x1F;
	s0 =	sadd.s32 s6, s28;
	[tilespmem:s29+$0xFFFFFFC0] =	vst v0  }
0x4c: {  	[hbm4b:s0+s3] =	stream.linear.scatter [tilespmem:s18], [sflag:$0x5], $0x4000, $0x38;
	[tilespmem:$0x18000] =	vst v63  }
0x4d: {  	s0 =	sadd.s32 @!p1 $0x8000, s26  }
0x4e: {  	s29 =	sadd.s32 @!p1 s5, s0  }
0x4f: {  	s0 =	sadd.s32 @!p1 s7, s0;
	s29 =	sshrl.u32 @!p1 s29, $0x3  }
0x50: {  	s30 =	simm.s32 @!p1 $0x0;
	s0 =	sshrl.u32 @!p1 s0, $0x3;
	s29 =	sadd.s32 @!p1 s2, s29  }
0x51: {  	[tilespmem:s30], [sflag:$0x1] =	stream.linear.gather @!p1 [hbm4b:s29+s30], $0x4000, $0x38;
	[tilespmem:$0x18000] =	vst v63  }
0x52: {  	s0 =	sadd.s32 @!p1 s4, s0;
	s29 =	simm.s32 @!p1 $0x8000  }
0x53: {  	[tilespmem:s29], [sflag:$0x3] =	stream.linear.gather @!p1 [hbm4b:s0+s30], $0x4000, $0x38;
	[tilespmem:$0x18000] =	vst v63  }
0x54: {  	_ =	swait.ge [sflag:s19], $0x4000  }
0x55: {  	[sflag:s19] =	ssyncset.done $0x0  }
0x56: {  	[sflag:s19] =	ssyncadd.s32 $0xFFFFC000  }
0x57: {  	_ =	swait.ge [sflag:s20], $0x4000  }
0x58: {  	[sflag:s20] =	ssyncset.done $0x0  }
0x59: {  	s0 =	simm.s32 @!p0 $0x6;
	[sflag:s20] =	ssyncadd.s32 $0xFFFFC000  }
0x5a: {  	_ =	swait.ge @!p0 [sflag:s0], $0x4000  }
0x5b: {  	[sflag:s0] =	ssyncset.done @!p0 $0x0  }
0x5c: {  	[sflag:s0] =	ssyncadd.s32 @!p0 $0xFFFFC000;
	s0 =	simm.s32 $0x4040  }
0x5d: {  	s29 =	simm.s32 $0xC040;
	v1 =	vld [tilespmem:s0+$0x30]  }
0x5e: {  	v2 =	vld [tilespmem:s29+$0x30]  }
0x5f: {  	v0 =	vld [tilespmem:s29+$0xFFFFFFC0]  }
0x60: {  	v3 =	vld [tilespmem:s0+$0xFFFFFFD0]  }
0x61: {  	v4 =	vld [tilespmem:s29+$0xFFFFFFD0]  }
0x62: {  	v5 =	vld [tilespmem:s0+$0xFFFFFFE0]  }
0x63: {  	v6 =	vld [tilespmem:s29+$0xFFFFFFE0]  }
0x64: {  	v7 =	vld [tilespmem:s0+$0xFFFFFFF0]  }
0x65: {  	v8 =	vld [tilespmem:s29+$0xFFFFFFF0]  }
0x66: {  	v9 =	vld [tilespmem:s0+$0x0]  }
0x67: {  	v10 =	vld [tilespmem:s29+$0x0];
	v2 =	vadd.f32 v2, v1  }
0x68: {  	s30 =	simm.s32 $0x14040;
	v4 =	vadd.f32 v4, v3;
	v1 =	vld [tilespmem:s0+$0x10]  }
0x69: {  	v5 =	vadd.f32 v6, v5;
	v3 =	vld [tilespmem:s29+$0x10];
	[tilespmem:s30+$0x30] =	vst v2  }
0x6a: {  	v6 =	vadd.f32 v8, v7;
	[tilespmem:s30+$0xFFFFFFD0] =	vst v4;
	v2 =	vld [tilespmem:s0+$0x20]  }
0x6b: {  	[tilespmem:s30+$0xFFFFFFE0] =	vst v5;
	v5 =	vld [tilespmem:s29+$0x20]  }
0x6c: {  	s31 =	simm.s32 $0x0;
	v4 =	vld [tilespmem:s0+$0xFFFFFFC0];
	[tilespmem:s30+$0xFFFFFFF0] =	vst v6;
	v6 =	vadd.f32 v10, v9;
	s0 =	simm.s32 $0x40C0  }
.LBB2_5:
0x6d: {  	v7 =	vld [tilespmem:s0+$0x30];
	s29 =	sadd.s32 $0x80, s29  }
0x6e: {  	s31 =	sadd.s32 $0x8, s31;
	v8 =	vld [tilespmem:s29+$0x30];
	[tilespmem:s30+$0x0] =	vst v6;
	v1 =	vadd.f32 v3, v1  }
0x6f: {  	p0 =	slt.u32 s31, $0x3F8;
	v3 =	vld [tilespmem:s29+$0xFFFFFFC0]  }
0x70: {  	v6 =	vld [tilespmem:s0+$0xFFFFFFD0];
	[tilespmem:s30+$0x10] =	vst v1;
	v1 =	vadd.f32 v5, v2  }
0x71: {  	v2 =	vld [tilespmem:s29+$0xFFFFFFD0];
	v9 =	vadd.f32 v0, v4  }
0x72: {  	v4 =	vld [tilespmem:s0+$0xFFFFFFE0];
	[tilespmem:s30+$0x20] =	vst v1  }
0x73: {  	v1 =	vld [tilespmem:s29+$0xFFFFFFE0];
	v5 =	vadd.f32 v8, v7;
	[tilespmem:s30+$0xFFFFFFC0] =	vst v9  }
0x74: {  	s30 =	sadd.s32 $0x80, s30;
	v7 =	vld [tilespmem:s0+$0xFFFFFFF0];
	v0 =	vmov v3  }
0x75: {  	v8 =	vld [tilespmem:s29+$0xFFFFFFF0];
	[tilespmem:s30+$0x30] =	vst v5  }
0x76: {  	v2 =	vadd.f32 v2, v6;
	v6 =	vld [tilespmem:s0+$0x0]  }
0x77: {  	v9 =	vld [tilespmem:s29+$0x0]  }
.Ltmp3:
0x78: {  	[tilespmem:s30+$0xFFFFFFD0] =	vst v2;
	v2 =	vadd.f32 v1, v4;
	v1 =	vld [tilespmem:s0+$0x10];
	(pc) =	sbr.rel @p0 .LBB2_5-.Ltmp3, $4  }
0x79: {  	v3 =	vld [tilespmem:s29+$0x10]  }
0x7a: {  	[tilespmem:s30+$0xFFFFFFE0] =	vst v2;
	v7 =	vadd.f32 v8, v7;
	v2 =	vld [tilespmem:s0+$0x20]  }
0x7b: {  	v5 =	vld [tilespmem:s29+$0x20]  }
0x7c: {  	v4 =	vld [tilespmem:s0+$0xFFFFFFC0];
	[tilespmem:s30+$0xFFFFFFF0] =	vst v7;
	v6 =	vadd.f32 v9, v6;
	s0 =	sadd.s32 $0x80, s0  }
0x7d: {  	_ =	sdelay $0x1  }
0x7e: {  	v1 =	vadd.f32 v3, v1  }
.Ltmp4:
0x7f: {  	[tilespmem:s30+$0x0] =	vst v6;
	v2 =	vadd.f32 v5, v2;
	(pc) =	sbr.rel @p1 .LBB2_8-.Ltmp4, $4  }
0x80: {  	[tilespmem:s30+$0x10] =	vst v1;
	v0 =	vadd.f32 v0, v4  }
0x81: {  	s0 =	sadd.s32 s28, s6;
	[tilespmem:s30+$0x20] =	vst v2  }
0x82: {  	s0 =	sadd.s32 $0x800, s0;
	[tilespmem:s30+$0xFFFFFFC0] =	vst v0  }
0x83: {  	[hbm4b:s0+s3] =	stream.linear.scatter [tilespmem:s21], [sflag:$0x6], $0x4000, $0x38;
	[tilespmem:$0x18000] =	vst v63  }
0x84: {  	s0 =	sadd.s32 $0xC000, s26  }
0x85: {  	s26 =	sadd.s32 s5, s0  }
.Ltmp5:
0x86: {  	s0 =	sadd.s32 s7, s0;
	s26 =	sshrl.u32 s26, $0x3;
	(pc) =	sbr.rel .LBB2_2-.Ltmp5, $4  }
0x87: {  	s0 =	sshrl.u32 s0, $0x3;
	s26 =	sadd.s32 s2, s26  }
0x88: {  	[tilespmem:s14], [sflag:$0x2] =	stream.linear.gather [hbm4b:s26+s3], $0x4000, $0x38;
	[tilespmem:$0x18000] =	vst v63  }
0x89: {  	s25 =	sadd.s32 $0x1, s25;
	s0 =	sadd.s32 s4, s0  }
0x8a: {  	[tilespmem:s15], [sflag:$0x4] =	stream.linear.gather [hbm4b:s0+s3], $0x4000, $0x38;
	[tilespmem:$0x18000] =	vst v63  }
.LBB2_9:
0x8b: {  	_ =	sfence.sel $0x180000  }
0x8c: {  	[bflag:$0x0] =	sbarrier.arrive $0xFFFF  }
0x8d: {  	_ =	strace $0x9000004D  }
0x8e: {  	[bflag:$0x2] =	sbarrier.arrive $0xFFFF  }
0x8f: {  	p0 =	sne.s32 s1, $0x0;
	s0 =	rddreg [dreg:$0x2]  }
0x90: {  	s0 =	sadd.s32 @!p0 $0x100000, s0  }
0x91: {  	[sflag:s0] =	ssyncadd.tile.s32 @!p0 $0x1;
	_ =	shalt  }
.Lfunc_end2:
_tile_overlayer_lowered:
.L_overlay_start_2:
0x92: {  	(tag) =	ssettag $0x2  }
0x93: {  	s0 =	rddreg [dreg:$0x0];
	s2 =	stileid.u32  }
0x94: {  	s1 =	rddreg [dreg:$0x1];
	p0 =	sne.s32 s2, $0x0  }
0x95: {  	s3 =	rddreg [dreg:$0x2];
	[bflag:$0x3] =	sbarrier.arrive $0xFFFF;
	s2 =	simm.s32 @!p0 $0x1C07  }
0x96: {  	[timem:s3], [sflag:s2] =	dma.local @!p0 [hbm:s0], s1  }
0x97: {  	s0 =	simm.s32 @!p0 $0x7  }
0x98: {  	_ =	swait.ge @!p0 [sflag:s0], s1  }
0x99: {  	s1 =	ssub.s32 @!p0 $0x0, s1;
	[sflag:s0] =	ssyncset.done @!p0 $0x0  }
0x9a: {  	[sflag:s0] =	ssyncadd.s32 @!p0 s1  }
0x9b: {  	[bflag:$0x3] =	sbarrier.arrive $0xFFFF  }
0x9c: {  	_ =	shalt  }

// kernel: sparse-core-data-format-call.1.cloned.1.call-start
scs
called_computation.1_lowered:
.L_overlay_start_0:
0x0: {  	s2 =	sld [smem:$0x3FD9]  }
0x1: {  	s3 =	sld [smem:$0x3FFE];
	_ =	sdelay $0x1  }
0x2: {  	s1 =	srdreg.scid  }
0x3: {  	s0 =	sand.u32 $0x1, s1  }
0x4: {  	s19 =	sshll.u32 s0, $0xA;
	s2 =	sadd.s32 s3, s2  }
0x5: {  	s2 =	sadd.s32 s2, s19  }
0x6: {  	[smem:$0x3FC6] =	sst s2  }
0x7: {  	_ = 	snop  }
0x8: {  	s20 =	sld [smem:$0x3FC9]  }
0x9: {  	s4 =	sld [smem:$0x3FD0];
	(tm) =	ssettm $0x1  }
0xa: {  	s21 =	sld [smem:$0x3FFB];
	_ =	sdelay $0x3  }
0xb: {  	_ =	strace s21  }
0xc: {  	s2 =	sld [smem:$0x3FFC];
	_ =	sdelay $0x3  }
0xd: {  	_ =	strace s2  }
0xe: {  	s2 =	sld [smem:$0x3FFD];
	_ =	sdelay $0x3  }
0xf: {  	_ =	strace s2  }
0x10: {  	_ =	strace $0x8FFFFFFF  }
0x11: {  	s22 =	sld [smem:$0x3FDB];
	_ =	sdelay $0x1  }
0x12: {  	s5 =	simm.s32 $_scs_section_size  }
0x13: {  	s6 =	simm.s32 $_size__tile_overlayer_lowered;
	s7 =	simm.s32 $_tile_overlayer_lowered  }
0x14: {  	s8 =	simm.s32 $0x1BFF;
	s23 =	sshll.u32 s7, $0x1;
	s5 =	sadd.s32 s5, s22  }
0x15: {  	s24 =	simm.s32 $0x0;
	s6 =	sshll.u32 s6, $0x1;
	s7 =	sadd.s32 s23, s5  }
0x16: {  	[timem:s24], [sflag:s8] =	dma.local [hbm:s7], s6  }
0x17: {  	_ =	swait.ge [sflag:s8], s6  }
0x18: {  	s6 =	ssub.s32 $0x0, s6;
	[sflag:s8] =	ssyncset.done $0x0  }
0x19: {  	[sflag:s8] =	ssyncadd.s32 s6;
	_ =	sdelay $0x1  }
0x1a: {  	s25 =	simm.s32 $0x1B8B  }
0x1b: {  	_ =	swait.ge [sflag:s25], $0x1  }
0x1c: {  	[sflag:s25] =	ssyncset.done $0x0  }
0x1d: {  	[sflag:s25] =	ssyncadd.s32 $0xFFFFFFFF  }
0x1e: {  	s6 =	sld [smem:$0x0]  }
0x1f: {  	s7 =	sand.u32 $0xFFFFFFFE, s1  }
0x20: {  	p0 =	sne.s32 s1, s7  }
0x21: {  	s7 =	sshll.u32 @p0 s7, $0xE  }
0x22: {  	s7 =	sadd.s32 @p0 $0x11B8D, s7;
	s8 =	sshll.u32 @p0 s6, $0x11  }
0x23: {  	s7 =	sor.u32 @p0 s8, s7  }
0x24: {  	[sflag:s7] =	ssyncadd.remote.s32 @p0 $0x1;
	_ =	sdelay $0x1  }
0x25: {  	s7 =	simm.s32 @p0 $0x1B8D  }
0x26: {  	_ =	swait.eq @p0 [sflag:s7], $0x1  }
0x27: {  	[sflag:s7] =	ssyncadd.s32 @p0 $0xFFFFFFFF  }
0x28: {  	s8 =	sshll.u32 @!p0 s1, $0xE  }
0x29: {  	s8 =	sor.u32 @!p0 $0x4000, s8;
	s7 =	simm.s32 @!p0 $0x1B8D  }
0x2a: {  	s6 =	sshll.u32 @!p0 s6, $0x11;
	s8 =	sadd.s32 @!p0 $0x11B8D, s8;
	_ =	swait.eq @!p0 [sflag:s7], $0x1  }
0x2b: {  	s6 =	sor.u32 @!p0 s6, s8;
	[sflag:s7] =	ssyncadd.s32 @!p0 $0xFFFFFFFF  }
0x2c: {  	s26 =	simm.s32 $0x1B8E;
	[sflag:s6] =	ssyncadd.remote.s32 @!p0 $0x1  }
0x2d: {  	s27 =	simm.s32 $execute0_lowered;
	[smem:$0x3FD2] =	sst s26  }
0x2e: {  	s6 =	sshll.u32 s27, $0x1;
	_ =	strace $0x80000049;
	[dreg:$0x1] =	wrdreg $0xFFFFFFFF  }
0x2f: {  	s28 =	simm.s32 $_size_execute0_lowered;
	s5 =	sadd.s32 s5, s6;
	[dreg:$0x0] =	wrdreg $0x0  }
0x30: {  	s6 =	sshll.u32 s28, $0x1;
	[dreg:$0x2] =	wrdreg s5  }
0x31: {  	[dreg:$0x3] =	wrdreg s6  }
0x32: {  	[dreg:$0x4] =	wrdreg $0xC0  }
0x33: {  	_ =	task [dreg:s24], $0x5FFFF  }
0x34: {  	[dreg:$0x1] =	wrdreg $0xFFFFFFFF  }
0x35: {  	[dreg:$0x0] =	wrdreg $0x60  }
0x36: {  	[dreg:$0x2] =	wrdreg s20  }
0x37: {  	[dreg:$0x3] =	wrdreg s4  }
0x38: {  	[dreg:$0x4] =	wrdreg $0xA  }
0x39: {  	_ =	task.clear_ibuf [dreg:s24], $0x5FFFF;
	_ =	strace $0x90000049  }
0x3a: {  	s29 =	simm.s32 $0xA;
	_ =	strace $0x8000004B  }
0x3b: {  	_ =	swait.ge [sflag:s29], $0x1  }
0x3c: {  	[sflag:s29] =	ssyncadd.s32 $0xFFFFFFFF  }
0x3d: {  	_ =	strace $0x9000004B  }
0x3e: {  	_ =	sfence  }
0x3f: {  	s30 =	sld [smem:$0x0];
	_ =	sdelay $0x2  }
0x40: {  	s31 =	sshll.u32 s1, $0xD;
	s1 =	sshrl.u32 s1, $0x2  }
0x41: {  	s4 =	sand.u32 $0x4000, s31;
	s1 =	sadd.s32 s1, s30  }
0x42: {  	s0 =	sor.u32 s4, s0;
	s1 =	sshll.u32 s1, $0x11  }
0x43: {  	s0 =	sor.u32 s1, s0  }
0x44: {  	s0 =	sadd.s32 $0x8F2B, s0  }
0x45: {  	[sflag:s0] =	ssyncadd.remote.s32 $0x1  }
0x46: {  	_ =	sfence.sel $0xFFFF  }
0x47: {  	[dreg:$0x0] =	wrdreg $0xFFFFFFFF;
	(pc) =	sbr.abs _section_cstart, $3  }
0x48: {  	[dreg:$0x1] =	wrdreg $0xFFFFFFFF  }
0x49: {  	_ =	task.clear_ibuf [dreg:s24], $0x2FFFF;
	_ =	strace $0x9FFFFFFF  }
0x4a: {  	(tm) =	ssettm $0x7FFFFFFF  }
0x4b: {  	_ =	shalt  }
tec
execute0_lowered:
.L_overlay_start_1:
0x0: {  	(tag) =	ssettag $0x1  }
0x1: {  	s0 =	srdreg.scid  }
0x2: {  	s1 =	sshll.u32 s0, $0x4  }
0x3: {  	s2 =	rddreg [dreg:$0x0];
	s0 =	stileid.u32;
	s1 =	sand.u32 $0x10, s1  }
0x4: {  	s4 =	rddreg [dreg:$0x1];
	s1 =	sor.u32 s0, s1  }
0x5: {  	s7 =	simm.s32 $0x1;
	s8 =	simm.s32 $0x2;
	s3 =	sshll.u32 s1, $0x1  }
0x6: {  	s9 =	simm.s32 $0x0;
	s12 =	simm.s32 $0x0;
	s6 =	ssub.s32 $0x1000, s3  }
.Ltmp0:
0x7: {  	s11 =	simm.s32 $0x0;
	s5 =	sand.u32 $0x3E, s6;
	(pc) =	sbr.rel .LBB1_1-.Ltmp0, $4  }
0x8: {  	s1 =	rddreg [dreg:$0x2];
	_ =	strace $0x8000004A;
	p0 =	sne.s32 s5, $0x0  }
0x9: {  	s6 =	sshrl.u32 s6, $0x6;
	s5 =	simm.s32 $0x1;
	s7 =	simm.s32 @!p0 $0x0  }
0xa: {  	s10 =	smov.u32 s3;
	[sflag:s5] =	ssyncpa.u1 $0x0;
	s6 =	sadd.s32 s7, s6  }
0xb: {  	[sflag:s8] =	ssyncpa.u1 $0x0;
	s8 =	simm.s32 $0x0;
	s7 =	sadd.s32 $0x1, s6  }
.LBB1_9:
0xc: {  	s14 =	sadd.s32 $0x40, s10  }
0xd: {  	p1 =	sgt.s32 s14, $0xFFF  }
0xe: {  	s14 =	smov.u32 @p1 s3;
	p1 =	sne.s32 s11, s7  }
.Ltmp1:
0xf: {  	p0 =	slt.u32 s11, $0x2;
	(pc) =	sbr.rel @!p1 .LBB1_10-.Ltmp1, $4  }
0x10: {  	s13 =	simm.s32 @!p0 $0x2  }
0x11: {  	s15 =	sadd.s32 $0x1, s11;
	_ =	swait.ge @!p0 [sflag:s13], $0x4000  }
0x12: {  	s12 =	smov.u32 s10;
	s9 =	sadd.s32 $0x4000, s9;
	[sflag:s13] =	ssyncset.done @!p0 $0x0  }
0x13: {  	s11 =	smov.u32 s15;
	s10 =	smov.u32 s14;
	[sflag:s13] =	ssyncadd.s32 @!p0 $0xFFFFC000  }
.LBB1_1:
0x14: {  	p0 =	sge.u32 s11, s6  }
0x15: {  	s13 =	sxor.u32 @!p0 $0xFFFFFFFF, s11  }
0x16: {  	s31 =	sadd.s32 $0xFFFFFFFF, s11;
	s14 =	sshll.u32 @!p0 s10, $0xA;
	s13 =	sshll.u32 @!p0 s13, $0xE  }
0x17: {  	s15 =	simm.s32 @!p0 $0x0;
	s14 =	sadd.s32 @!p0 s2, s14;
	s13 =	sand.u32 @!p0 $0x4000, s13  }
0x18: {  	[tilespmem:s13], [sflag:$0x1] =	stream.linear.gather @!p0 [hbm4b:s14+s15], $0x4000, $0x38;
	[tilespmem:$0x10000] =	vst v63  }
0x19: {  	p0 =	sge.u32 s31, s6  }
.Ltmp2:
0x1a: {  	_ = 	snop;
	(pc) =	sbr.rel @p0 .LBB1_9-.Ltmp2, $1  }
0x1b: {  	_ =	sdelay $0x3  }
0x1c: {  	s13 =	sshll.u32 s9, $0x2  }
0x1d: {  	_ =	swait.ge [sflag:s5], $0x4000;
	s14 =	sshll.u32 s11, $0xE;
	s16 =	simm.s32 $0x0  }
0x1e: {  	p1 =	por $0x1, $0x1;
	s13 =	sand.u32 $0x10000, s13;
	[sflag:s5] =	ssyncset.done $0x0  }
0x1f: {  	s14 =	sand.u32 $0x4000, s14;
	s15 =	sshrl.u32 s13, $0x2;
	[sflag:s5] =	ssyncadd.s32 $0xFFFFC000  }
0x20: {  	s13 =	sor.u32 $0x8000, s14;
	s14 =	sadd.s32 $0x8040, s15;
	s15 =	sadd.s32 $0x40, s15  }
.LBB1_3:
0x21: {  	s16 =	sshll.u32 s16, $0x2  }
0x22: {  	p0 =	por p1, p1;
	s17 =	sshra.s32 s16, $0x2  }
0x23: {  	s18 =	simm.s32 $0x0;
	s16 =	sadd.s32 s17, s14;
	s17 =	sadd.s32 s17, s15  }
.LBB1_4:
0x24: {  	v0 =	vmov s17;
	_ =	sdelay $0x3  }
0x25: {  	s20 =	simm.s32 $0x0  }
0x26: {  	v6 =	vld.idx.msk [tilespmem:v0+s20+$0x30 ss:$0x1], $0xffff  }
0x27: {  	v7 =	vld.idx.msk [tilespmem:v0+s20+$0xFFFFFFC0 ss:$0x1], $0xffff  }
0x28: {  	v5 =	vld.idx.msk [tilespmem:v0+s20+$0xFFFFFFD0 ss:$0x1], $0xffff  }
0x29: {  	v4 =	vld.idx.msk [tilespmem:v0+s20+$0xFFFFFFE0 ss:$0x1], $0xffff  }
0x2a: {  	v3 =	vld.idx.msk [tilespmem:v0+s20+$0xFFFFFFF0 ss:$0x1], $0xffff  }
0x2b: {  	v1 =	vld.idx.msk [tilespmem:v0+s20+$0x0 ss:$0x1], $0xffff  }
0x2c: {  	v2 =	vld.idx.msk [tilespmem:v0+s20+$0x10 ss:$0x1], $0xffff;
	[tilespmem:s16+$0x30] =	vst v6  }
0x2d: {  	s19 =	simm.s32 $0x80;
	s21 =	simm.s32 $0x400;
	[tilespmem:s16+$0xFFFFFFC0] =	vst v7;
	v6 =	vld.idx.msk [tilespmem:v0+s20+$0x20 ss:$0x1], $0xffff;
	s20 =	smov.u32 s16  }
.LBB1_5:
0x2e: {  	p1 =	sne.s32 s21, $0xE00;
	v7 =	vld.idx.msk [tilespmem:v0+s19+$0x30 ss:$0x1], $0xffff;
	[tilespmem:s20+$0xFFFFFFD0] =	vst v5  }
0x2f: {  	v8 =	vld.idx.msk [tilespmem:v0+s19+$0xFFFFFFC0 ss:$0x1], $0xffff;
	[tilespmem:s20+$0xFFFFFFE0] =	vst v4  }
0x30: {  	v5 =	vld.idx.msk [tilespmem:v0+s19+$0xFFFFFFD0 ss:$0x1], $0xffff;
	[tilespmem:s20+$0xFFFFFFF0] =	vst v3  }
.Ltmp3:
0x31: {  	v4 =	vld.idx.msk [tilespmem:v0+s19+$0xFFFFFFE0 ss:$0x1], $0xffff;
	[tilespmem:s20+$0x0] =	vst v1;
	(pc) =	sbr.rel @p1 .LBB1_5-.Ltmp3, $4  }
0x32: {  	v3 =	vld.idx.msk [tilespmem:v0+s19+$0xFFFFFFF0 ss:$0x1], $0xffff;
	[tilespmem:s20+$0x10] =	vst v2  }
0x33: {  	v1 =	vld.idx.msk [tilespmem:v0+s19+$0x0 ss:$0x1], $0xffff;
	[tilespmem:s20+$0x20] =	vst v6;
	s20 =	sadd.s32 $0x400, s20  }
0x34: {  	v2 =	vld.idx.msk [tilespmem:v0+s19+$0x10 ss:$0x1], $0xffff;
	[tilespmem:s20+$0x30] =	vst v7  }
0x35: {  	[tilespmem:s20+$0xFFFFFFC0] =	vst v8;
	v6 =	vld.idx.msk [tilespmem:v0+s19+$0x20 ss:$0x1], $0xffff;
	s19 =	sshra.s32 s21, $0x2;
	s21 =	sadd.s32 $0x200, s21  }
0x36: {  	_ =	sdelay $0x2  }
0x37: {  	[tilespmem:s20+$0xFFFFFFD0] =	vst v5  }
0x38: {  	v56 =	vld.idx.msk [tilespmem:v0+s19+$0x30 ss:$0x1], $0xffff;
	[tilespmem:s20+$0xFFFFFFE0] =	vst v4  }
0x39: {  	v57 =	vld.idx.msk [tilespmem:v0+s19+$0xFFFFFFC0 ss:$0x1], $0xffff;
	[tilespmem:s20+$0xFFFFFFF0] =	vst v3  }
0x3a: {  	v58 =	vld.idx.msk [tilespmem:v0+s19+$0xFFFFFFD0 ss:$0x1], $0xffff;
	[tilespmem:s20+$0x0] =	vst v1  }
0x3b: {  	v59 =	vld.idx.msk [tilespmem:v0+s19+$0xFFFFFFE0 ss:$0x1], $0xffff;
	[tilespmem:s20+$0x10] =	vst v2  }
0x3c: {  	v60 =	vld.idx.msk [tilespmem:v0+s19+$0xFFFFFFF0 ss:$0x1], $0xffff;
	s31 =	sadd.s32 $0x400, s20;
	[tilespmem:s20+$0x20] =	vst v6  }
0x3d: {  	v61 =	vld.idx.msk [tilespmem:v0+s19+$0x0 ss:$0x1], $0xffff;
	[tilespmem:s31+$0x30] =	vst v56  }
0x3e: {  	v62 =	vld.idx.msk [tilespmem:v0+s19+$0x10 ss:$0x1], $0xffff;
	s18 =	sadd.s32 $0x1, s18;
	[tilespmem:s31+$0xFFFFFFC0] =	vst v57  }
0x3f: {  	v63 =	vld.idx.msk [tilespmem:v0+s19+$0x20 ss:$0x1], $0xffff;
	p1 =	sne.s32 s18, $0x8;
	[tilespmem:s31+$0xFFFFFFD0] =	vst v58  }
.Ltmp4:
0x40: {  	[tilespmem:s31+$0xFFFFFFE0] =	vst v59;
	(pc) =	sbr.rel @p1 .LBB1_4-.Ltmp4, $4  }
0x41: {  	[tilespmem:s31+$0xFFFFFFF0] =	vst v60  }
0x42: {  	[tilespmem:s31+$0x0] =	vst v61  }
0x43: {  	[tilespmem:s31+$0x10] =	vst v62  }
0x44: {  	s16 =	sadd.s32 $0x80, s16;
	s17 =	sadd.s32 $0x400, s17;
	[tilespmem:s31+$0x20] =	vst v63  }
.Ltmp5:
0x45: {  	(pc) =	sbr.rel @p0 .LBB1_3-.Ltmp5, $2  }
0x46: {  	_ =	sdelay $0x2  }
0x47: {  	s16 =	simm.s32 $0x2000;
	p1 =	por $0x0, $0x0  }
.Ltmp6:
0x48: {  	(pc) =	sbr.rel .LBB1_9-.Ltmp6, $4  }
0x49: {  	_ = 	snop  }
0x4a: {  	s12 =	sshll.u32 s12, $0xA  }
0x4b: {  	s12 =	sadd.s32 s4, s12  }
0x4c: {  	[hbm4b:s12+s8] =	stream.linear.scatter [tilespmem:s13], [sflag:$0x2], $0x4000, $0x38;
	[tilespmem:$0x10000] =	vst v63  }
.LBB1_10:
0x4d: {  	_ =	sfence.sel $0x180000  }
0x4e: {  	s2 =	simm.s32 $0x1;
	[bflag:$0x0] =	sbarrier.arrive $0xFFFF  }
0x4f: {  	s31 =	simm.s32 $0x2;
	[sflag:s2] =	ssyncpa.u1 $0x1  }
0x50: {  	[sflag:s31] =	ssyncpa.u1 $0x1  }
0x51: {  	p0 =	sne.s32 s0, $0x0;
	_ =	strace $0x9000004A  }
0x52: {  	s0 =	sadd.s32 @!p0 $0x100000, s1;
	[bflag:$0x2] =	sbarrier.arrive $0xFFFF  }
0x53: {  	[sflag:s0] =	ssyncadd.tile.s32 @!p0 $0x1;
	_ =	shalt  }
.Lfunc_end1:
_tile_overlayer_lowered:
.L_overlay_start_2:
0x54: {  	(tag) =	ssettag $0x2  }
0x55: {  	s0 =	rddreg [dreg:$0x0];
	s2 =	stileid.u32  }
0x56: {  	s1 =	rddreg [dreg:$0x1];
	p0 =	sne.s32 s2, $0x0  }
0x57: {  	s3 =	rddreg [dreg:$0x2];
	[bflag:$0x3] =	sbarrier.arrive $0xFFFF;
	s2 =	simm.s32 @!p0 $0x1C01  }
0x58: {  	[timem:s3], [sflag:s2] =	dma.local @!p0 [hbm:s0], s1  }
0x59: {  	s0 =	simm.s32 @!p0 $0x1  }
0x5a: {  	_ =	swait.ge @!p0 [sflag:s0], s1  }
0x5b: {  	s1 =	ssub.s32 @!p0 $0x0, s1;
	[sflag:s0] =	ssyncset.done @!p0 $0x0  }
0x5c: {  	[sflag:s0] =	ssyncadd.s32 @!p0 s1  }
0x5d: {  	[bflag:$0x3] =	sbarrier.arrive $0xFFFF  }
0x5e: {  	_ =	shalt  }

// kernel: sparse-core-data-format-call.cloned.1.call-start
scs
called_computation_lowered:
.L_overlay_start_0:
0x0: {  	s2 =	sld [smem:$0x3FD9]  }
0x1: {  	s3 =	sld [smem:$0x3FFE];
	_ =	sdelay $0x1  }
0x2: {  	s1 =	srdreg.scid  }
0x3: {  	s0 =	sand.u32 $0x1, s1  }
0x4: {  	s18 =	sshll.u32 s0, $0xA;
	s2 =	sadd.s32 s3, s2  }
0x5: {  	s2 =	sadd.s32 s2, s18  }
0x6: {  	[smem:$0x3FC6] =	sst s2  }
0x7: {  	_ = 	snop  }
0x8: {  	s2 =	sld [smem:$0x3FC8];
	(tm) =	ssettm $0x1  }
0x9: {  	s19 =	sld [smem:$0x3FFB];
	_ =	sdelay $0x3  }
0xa: {  	_ =	strace s19  }
0xb: {  	s3 =	sld [smem:$0x3FFC];
	_ =	sdelay $0x3  }
0xc: {  	_ =	strace s3  }
0xd: {  	s3 =	sld [smem:$0x3FFD];
	_ =	sdelay $0x3  }
0xe: {  	_ =	strace s3  }
0xf: {  	_ =	strace $0x8FFFFFFF  }
0x10: {  	s20 =	sld [smem:$0x3FDB];
	_ =	sdelay $0x1  }
0x11: {  	s4 =	simm.s32 $_scs_section_size  }
0x12: {  	s5 =	simm.s32 $_size__tile_overlayer_lowered;
	s6 =	simm.s32 $_tile_overlayer_lowered  }
0x13: {  	s23 =	simm.s32 $0x1BFF;
	s22 =	sshll.u32 s6, $0x1;
	s3 =	sadd.s32 s4, s20  }
0x14: {  	s7 =	simm.s32 $0x0;
	s21 =	sshll.u32 s5, $0x1;
	s5 =	sadd.s32 s22, s3  }
0x15: {  	[timem:s7], [sflag:s23] =	dma.local [hbm:s5], s21  }
0x16: {  	_ =	swait.ge [sflag:s23], s21  }
0x17: {  	s4 =	ssub.s32 $0x0, s21;
	[sflag:s23] =	ssyncset.done $0x0  }
0x18: {  	[sflag:s23] =	ssyncadd.s32 s4;
	_ =	sdelay $0x1  }
0x19: {  	s24 =	simm.s32 $0x1B8B  }
0x1a: {  	_ =	swait.ge [sflag:s24], $0x1  }
0x1b: {  	[sflag:s24] =	ssyncset.done $0x0  }
0x1c: {  	s26 =	simm.s32 $0x1B8E;
	s25 =	sld [smem:$0x3FFE];
	[sflag:s24] =	ssyncadd.s32 $0xFFFFFFFF  }
0x1d: {  	s27 =	simm.s32 $execute0_lowered;
	[smem:$0x3FD2] =	sst s26  }
0x1e: {  	s5 =	sshll.u32 s27, $0x1;
	_ =	strace $0x80000046;
	[dreg:$0x1] =	wrdreg $0xFFFFFFFF  }
0x1f: {  	s28 =	simm.s32 $_size_execute0_lowered;
	s3 =	sadd.s32 s3, s5;
	[dreg:$0x0] =	wrdreg $0x0  }
0x20: {  	s5 =	sshll.u32 s28, $0x1;
	[dreg:$0x2] =	wrdreg s3  }
0x21: {  	[dreg:$0x3] =	wrdreg s5  }
0x22: {  	[dreg:$0x4] =	wrdreg $0xC0  }
0x23: {  	_ =	task [dreg:s7], $0x5FFFF  }
0x24: {  	[dreg:$0x1] =	wrdreg $0xFFFFFFFF  }
0x25: {  	[dreg:$0x0] =	wrdreg $0x60  }
0x26: {  	[dreg:$0x2] =	wrdreg s2  }
0x27: {  	[dreg:$0x3] =	wrdreg s25  }
0x28: {  	[dreg:$0x4] =	wrdreg $0x9  }
0x29: {  	_ =	task.clear_ibuf [dreg:s7], $0x5FFFF;
	_ =	strace $0x90000046  }
0x2a: {  	s29 =	simm.s32 $0x9;
	_ =	strace $0x80000048  }
0x2b: {  	_ =	swait.ge [sflag:s29], $0x1  }
0x2c: {  	[sflag:s29] =	ssyncadd.s32 $0xFFFFFFFF  }
0x2d: {  	_ =	strace $0x90000048  }
0x2e: {  	_ =	sfence  }
0x2f: {  	s30 =	sld [smem:$0x0];
	_ =	sdelay $0x2  }
0x30: {  	s31 =	sshll.u32 s1, $0xD;
	s1 =	sshrl.u32 s1, $0x2  }
0x31: {  	s3 =	sand.u32 $0x4000, s31;
	s1 =	sadd.s32 s1, s30  }
0x32: {  	s0 =	sor.u32 s3, s0;
	s1 =	sshll.u32 s1, $0x11  }
0x33: {  	s0 =	sor.u32 s1, s0  }
0x34: {  	s0 =	sadd.s32 $0x8F2B, s0  }
0x35: {  	[sflag:s0] =	ssyncadd.remote.s32 $0x1  }
0x36: {  	_ =	sfence.sel $0xFFFF  }
0x37: {  	[dreg:$0x0] =	wrdreg $0xFFFFFFFF;
	(pc) =	sbr.abs _section_cstart, $3  }
0x38: {  	[dreg:$0x1] =	wrdreg $0xFFFFFFFF  }
0x39: {  	_ =	task.clear_ibuf [dreg:s7], $0x2FFFF;
	_ =	strace $0x9FFFFFFF  }
0x3a: {  	(tm) =	ssettm $0x7FFFFFFF  }
0x3b: {  	_ =	shalt  }
tec
execute0_lowered:
.L_overlay_start_1:
0x0: {  	(tag) =	ssettag $0x1  }
0x1: {  	s0 =	srdreg.scid  }
0x2: {  	s1 =	sshll.u32 s0, $0x4  }
0x3: {  	s2 =	rddreg [dreg:$0x0];
	s0 =	stileid.u32;
	s1 =	sand.u32 $0x10, s1  }
0x4: {  	s4 =	rddreg [dreg:$0x1];
	s7 =	simm.s32 $0x1;
	s1 =	sor.u32 s0, s1  }
0x5: {  	s8 =	simm.s32 $0x2;
	s9 =	simm.s32 $0x0;
	s3 =	sshll.u32 s1, $0x1  }
0x6: {  	s12 =	simm.s32 $0x0;
	s11 =	simm.s32 $0x0;
	s6 =	ssub.s32 $0x400, s3  }
.Ltmp0:
0x7: {  	s4 =	sadd.s32 $0xC00, s4;
	s5 =	sand.u32 $0x3E, s6;
	(pc) =	sbr.rel .LBB1_1-.Ltmp0, $4  }
0x8: {  	s1 =	rddreg [dreg:$0x2];
	_ =	strace $0x80000047;
	p0 =	sne.s32 s5, $0x0  }
0x9: {  	s6 =	sshrl.u32 s6, $0x6;
	s5 =	simm.s32 $0x1;
	s7 =	simm.s32 @!p0 $0x0  }
0xa: {  	s10 =	smov.u32 s3;
	[sflag:s5] =	ssyncpa.u1 $0x0;
	s6 =	sadd.s32 s7, s6  }
0xb: {  	[sflag:s8] =	ssyncpa.u1 $0x0;
	s8 =	simm.s32 $0x0;
	s7 =	sadd.s32 $0x1, s6  }
.LBB1_9:
0xc: {  	s14 =	sadd.s32 $0x40, s10  }
0xd: {  	p1 =	sgt.s32 s14, $0x3FF  }
0xe: {  	s14 =	smov.u32 @p1 s3;
	p1 =	sne.s32 s11, s7  }
.Ltmp1:
0xf: {  	p0 =	slt.u32 s11, $0x2;
	(pc) =	sbr.rel @!p1 .LBB1_10-.Ltmp1, $4  }
0x10: {  	s13 =	simm.s32 @!p0 $0x2  }
0x11: {  	s15 =	sadd.s32 $0x1, s11;
	_ =	swait.ge @!p0 [sflag:s13], $0x4000  }
0x12: {  	s12 =	smov.u32 s10;
	s9 =	sadd.s32 $0x4000, s9;
	[sflag:s13] =	ssyncset.done @!p0 $0x0  }
0x13: {  	s11 =	smov.u32 s15;
	s10 =	smov.u32 s14;
	[sflag:s13] =	ssyncadd.s32 @!p0 $0xFFFFC000  }
.LBB1_1:
0x14: {  	p0 =	sge.u32 s11, s6  }
0x15: {  	s13 =	sxor.u32 @!p0 $0xFFFFFFFF, s11  }
0x16: {  	s31 =	sadd.s32 $0xFFFFFFFF, s11;
	s14 =	sshll.u32 @!p0 s10, $0xA;
	s13 =	sshll.u32 @!p0 s13, $0xE  }
0x17: {  	s15 =	simm.s32 @!p0 $0x0;
	s14 =	sadd.s32 @!p0 s2, s14;
	s13 =	sand.u32 @!p0 $0x4000, s13  }
0x18: {  	[tilespmem:s13], [sflag:$0x1] =	stream.linear.gather @!p0 [hbm4b:s14+s15], $0x4000, $0x38;
	[tilespmem:$0x10000] =	vst v63  }
0x19: {  	p0 =	sge.u32 s31, s6  }
.Ltmp2:
0x1a: {  	_ = 	snop;
	(pc) =	sbr.rel @p0 .LBB1_9-.Ltmp2, $1  }
0x1b: {  	_ =	sdelay $0x3  }
0x1c: {  	s13 =	sshll.u32 s9, $0x2  }
0x1d: {  	_ =	swait.ge [sflag:s5], $0x4000;
	s14 =	sshll.u32 s11, $0xE;
	s16 =	simm.s32 $0x0  }
0x1e: {  	p1 =	por $0x1, $0x1;
	s13 =	sand.u32 $0x10000, s13;
	[sflag:s5] =	ssyncset.done $0x0  }
0x1f: {  	s14 =	sand.u32 $0x4000, s14;
	s15 =	sshrl.u32 s13, $0x2;
	[sflag:s5] =	ssyncadd.s32 $0xFFFFC000  }
0x20: {  	s13 =	sor.u32 $0x8000, s14;
	s14 =	sadd.s32 $0x8040, s15;
	s15 =	sadd.s32 $0x40, s15  }
.LBB1_3:
0x21: {  	s16 =	sshll.u32 s16, $0x2  }
0x22: {  	p0 =	por p1, p1;
	s17 =	sshra.s32 s16, $0x2  }
0x23: {  	s18 =	simm.s32 $0x0;
	s16 =	sadd.s32 s17, s14;
	s17 =	sadd.s32 s17, s15  }
.LBB1_4:
0x24: {  	v0 =	vmov s17;
	_ =	sdelay $0x3  }
0x25: {  	s20 =	simm.s32 $0x0  }
0x26: {  	v6 =	vld.idx.msk [tilespmem:v0+s20+$0x30 ss:$0x1], $0xffff  }
0x27: {  	v7 =	vld.idx.msk [tilespmem:v0+s20+$0xFFFFFFC0 ss:$0x1], $0xffff  }
0x28: {  	v5 =	vld.idx.msk [tilespmem:v0+s20+$0xFFFFFFD0 ss:$0x1], $0xffff  }
0x29: {  	v4 =	vld.idx.msk [tilespmem:v0+s20+$0xFFFFFFE0 ss:$0x1], $0xffff  }
0x2a: {  	v3 =	vld.idx.msk [tilespmem:v0+s20+$0xFFFFFFF0 ss:$0x1], $0xffff  }
0x2b: {  	v1 =	vld.idx.msk [tilespmem:v0+s20+$0x0 ss:$0x1], $0xffff  }
0x2c: {  	v2 =	vld.idx.msk [tilespmem:v0+s20+$0x10 ss:$0x1], $0xffff;
	[tilespmem:s16+$0x30] =	vst v6  }
0x2d: {  	s19 =	simm.s32 $0x80;
	s21 =	simm.s32 $0x400;
	[tilespmem:s16+$0xFFFFFFC0] =	vst v7;
	v6 =	vld.idx.msk [tilespmem:v0+s20+$0x20 ss:$0x1], $0xffff;
	s20 =	smov.u32 s16  }
.LBB1_5:
0x2e: {  	p1 =	sne.s32 s21, $0xE00;
	v7 =	vld.idx.msk [tilespmem:v0+s19+$0x30 ss:$0x1], $0xffff;
	[tilespmem:s20+$0xFFFFFFD0] =	vst v5  }
0x2f: {  	v8 =	vld.idx.msk [tilespmem:v0+s19+$0xFFFFFFC0 ss:$0x1], $0xffff;
	[tilespmem:s20+$0xFFFFFFE0] =	vst v4  }
0x30: {  	v5 =	vld.idx.msk [tilespmem:v0+s19+$0xFFFFFFD0 ss:$0x1], $0xffff;
	[tilespmem:s20+$0xFFFFFFF0] =	vst v3  }
.Ltmp3:
0x31: {  	v4 =	vld.idx.msk [tilespmem:v0+s19+$0xFFFFFFE0 ss:$0x1], $0xffff;
	[tilespmem:s20+$0x0] =	vst v1;
	(pc) =	sbr.rel @p1 .LBB1_5-.Ltmp3, $4  }
0x32: {  	v3 =	vld.idx.msk [tilespmem:v0+s19+$0xFFFFFFF0 ss:$0x1], $0xffff;
	[tilespmem:s20+$0x10] =	vst v2  }
0x33: {  	v1 =	vld.idx.msk [tilespmem:v0+s19+$0x0 ss:$0x1], $0xffff;
	[tilespmem:s20+$0x20] =	vst v6;
	s20 =	sadd.s32 $0x400, s20  }
0x34: {  	v2 =	vld.idx.msk [tilespmem:v0+s19+$0x10 ss:$0x1], $0xffff;
	[tilespmem:s20+$0x30] =	vst v7  }
0x35: {  	[tilespmem:s20+$0xFFFFFFC0] =	vst v8;
	v6 =	vld.idx.msk [tilespmem:v0+s19+$0x20 ss:$0x1], $0xffff;
	s19 =	sshra.s32 s21, $0x2;
	s21 =	sadd.s32 $0x200, s21  }
0x36: {  	_ =	sdelay $0x2  }
0x37: {  	[tilespmem:s20+$0xFFFFFFD0] =	vst v5  }
0x38: {  	v56 =	vld.idx.msk [tilespmem:v0+s19+$0x30 ss:$0x1], $0xffff;
	[tilespmem:s20+$0xFFFFFFE0] =	vst v4  }
0x39: {  	v57 =	vld.idx.msk [tilespmem:v0+s19+$0xFFFFFFC0 ss:$0x1], $0xffff;
	[tilespmem:s20+$0xFFFFFFF0] =	vst v3  }
0x3a: {  	v58 =	vld.idx.msk [tilespmem:v0+s19+$0xFFFFFFD0 ss:$0x1], $0xffff;
	[tilespmem:s20+$0x0] =	vst v1  }
0x3b: {  	v59 =	vld.idx.msk [tilespmem:v0+s19+$0xFFFFFFE0 ss:$0x1], $0xffff;
	[tilespmem:s20+$0x10] =	vst v2  }
0x3c: {  	v60 =	vld.idx.msk [tilespmem:v0+s19+$0xFFFFFFF0 ss:$0x1], $0xffff;
	s31 =	sadd.s32 $0x400, s20;
	[tilespmem:s20+$0x20] =	vst v6  }
0x3d: {  	v61 =	vld.idx.msk [tilespmem:v0+s19+$0x0 ss:$0x1], $0xffff;
	[tilespmem:s31+$0x30] =	vst v56  }
0x3e: {  	v62 =	vld.idx.msk [tilespmem:v0+s19+$0x10 ss:$0x1], $0xffff;
	s18 =	sadd.s32 $0x1, s18;
	[tilespmem:s31+$0xFFFFFFC0] =	vst v57  }
0x3f: {  	v63 =	vld.idx.msk [tilespmem:v0+s19+$0x20 ss:$0x1], $0xffff;
	p1 =	sne.s32 s18, $0x8;
	[tilespmem:s31+$0xFFFFFFD0] =	vst v58  }
.Ltmp4:
0x40: {  	[tilespmem:s31+$0xFFFFFFE0] =	vst v59;
	(pc) =	sbr.rel @p1 .LBB1_4-.Ltmp4, $4  }
0x41: {  	[tilespmem:s31+$0xFFFFFFF0] =	vst v60  }
0x42: {  	[tilespmem:s31+$0x0] =	vst v61  }
0x43: {  	[tilespmem:s31+$0x10] =	vst v62  }
0x44: {  	s16 =	sadd.s32 $0x80, s16;
	s17 =	sadd.s32 $0x400, s17;
	[tilespmem:s31+$0x20] =	vst v63  }
.Ltmp5:
0x45: {  	(pc) =	sbr.rel @p0 .LBB1_3-.Ltmp5, $2  }
0x46: {  	_ =	sdelay $0x2  }
0x47: {  	s16 =	simm.s32 $0x2000;
	p1 =	por $0x0, $0x0  }
.Ltmp6:
0x48: {  	(pc) =	sbr.rel .LBB1_9-.Ltmp6, $4  }
0x49: {  	_ = 	snop  }
0x4a: {  	s12 =	sshll.u32 s12, $0xA  }
0x4b: {  	s12 =	sadd.s32 s4, s12  }
0x4c: {  	[hbm4b:s12+s8] =	stream.linear.scatter [tilespmem:s13], [sflag:$0x2], $0x4000, $0x38;
	[tilespmem:$0x10000] =	vst v63  }
.LBB1_10:
0x4d: {  	_ =	sfence.sel $0x180000  }
0x4e: {  	s2 =	simm.s32 $0x1;
	[bflag:$0x0] =	sbarrier.arrive $0xFFFF  }
0x4f: {  	s31 =	simm.s32 $0x2;
	[sflag:s2] =	ssyncpa.u1 $0x1  }
0x50: {  	[sflag:s31] =	ssyncpa.u1 $0x1  }
0x51: {  	p0 =	sne.s32 s0, $0x0;
	_ =	strace $0x90000047  }
0x52: {  	s0 =	sadd.s32 @!p0 $0x100000, s1;
	[bflag:$0x2] =	sbarrier.arrive $0xFFFF  }
0x53: {  	[sflag:s0] =	ssyncadd.tile.s32 @!p0 $0x1;
	_ =	shalt  }
.Lfunc_end1:
_tile_overlayer_lowered:
.L_overlay_start_2:
0x54: {  	(tag) =	ssettag $0x2  }
0x55: {  	s0 =	rddreg [dreg:$0x0];
	s2 =	stileid.u32  }
0x56: {  	s1 =	rddreg [dreg:$0x1];
	p0 =	sne.s32 s2, $0x0  }
0x57: {  	s3 =	rddreg [dreg:$0x2];
	[bflag:$0x3] =	sbarrier.arrive $0xFFFF;
	s2 =	simm.s32 @!p0 $0x1C01  }
0x58: {  	[timem:s3], [sflag:s2] =	dma.local @!p0 [hbm:s0], s1  }
0x59: {  	s0 =	simm.s32 @!p0 $0x1  }
0x5a: {  	_ =	swait.ge @!p0 [sflag:s0], s1  }
0x5b: {  	s1 =	ssub.s32 @!p0 $0x0, s1;
	[sflag:s0] =	ssyncset.done @!p0 $0x0  }
0x5c: {  	[sflag:s0] =	ssyncadd.s32 @!p0 s1  }
0x5d: {  	[bflag:$0x3] =	sbarrier.arrive $0xFFFF  }
0x5e: {  	_ =	shalt  }

</sc_bundles>
